<compile_context>
chip_gen: v7x
topology: tpu7x:2x2x1
jax: 0.10.2.dev20260603
libtpu: 0.0.44.dev20260713+nightly
codegen_flags: <defaults>
</compile_context>

<pallas_src>
import functools

import jax
import jax.numpy as jnp
from jax import lax
from jax.experimental import pallas as pl
from jax.experimental.pallas import tpu as pltpu
from jax.experimental.pallas import tpu_sc as plsc

_D = 32
_S = 50
_K = 16


@jax.jit
def _gather_sc(indices, table):
    n_outer_rows, _ = indices.shape
    info = plsc.get_sparse_core_info()
    nw = info.num_cores * info.num_subcores
    rows_per_w = n_outer_rows // nw
    n_rounds = rows_per_w // _K

    mesh = plsc.VectorSubcoreMesh(core_axis_name="c", subcore_axis_name="s")

    @functools.partial(
        pl.kernel,
        mesh=mesh,
        out_type=jax.ShapeDtypeStruct((n_outer_rows, _S, _D), jnp.float32),
        scratch_types=[
            pltpu.VMEM((rows_per_w, _S), jnp.int32),
            pltpu.VMEM((_K, _S, _D), jnp.float32),
            pltpu.SemaphoreType.DMA,
            pltpu.SemaphoreType.DMA,
        ],
        compiler_params=pltpu.CompilerParams(use_tc_tiling_on_sc=False),
    )
    def k(idx_hbm, table_hbm, out_hbm, idx_v, rows_v, gsem, wsem):
        wid = lax.axis_index("s") * info.num_cores + lax.axis_index("c")
        row0 = wid * rows_per_w
        pltpu.sync_copy(idx_hbm.at[pl.ds(row0, rows_per_w)], idx_v)

        def body(g, carry):
            r0 = g * _K
            gd = [
                pltpu.async_copy(table_hbm.at[idx_v.at[r0 + b]],
                                 rows_v.at[b], gsem)
                for b in range(_K)
            ]
            for d in gd:
                d.wait()
            wd = [
                pltpu.async_copy(rows_v.at[b], out_hbm.at[row0 + r0 + b],
                                 wsem)
                for b in range(_K)
            ]
            for d in wd:
                d.wait()
            return carry

        lax.fori_loop(0, n_rounds, body, 0)

    return k(indices, table)


def kernel(indices, table):
    return _gather_sc(indices.astype(jnp.int32), table)

# --- scband reference (transcript-rebuilt; emitter-appended) ---
"""Pipeline reference for scband-graph-encoder-24283745091987 (READ-ONLY COPY).

The authoritative reference and input builder live on the scoring server;
editing this copy changes nothing except your own understanding.
"""

import jax, jax.numpy as jnp
import numpy as np

NUM_EMBEDDINGS = 1000000
EMBEDDING_DIM = 32

def setup_inputs(seed: int = 0) -> dict:
    key = jax.random.key(seed)
    k_idx, k_tab = jax.random.split(key)
    indices = jax.random.randint(k_idx, (16384, 50), 0, NUM_EMBEDDINGS, dtype=jnp.int64 if jax.config.jax_enable_x64 else jnp.int32)
    table = jax.random.normal(k_tab, (NUM_EMBEDDINGS, EMBEDDING_DIM), dtype=jnp.float32)
    return {"indices": indices, "table": table}

def reference(indices, table):
    # nn.Embedding forward: row gather from the embedding table
    return jnp.take(table, indices, axis=0)

if __name__ == "__main__":
    import jax
    _d = setup_inputs()
    print(jax.jit(kernel)(*tuple(_d.values())))

</pallas_src>

<mosaic_0001>
#map = affine_map<(d0, d1) -> (0, 0)>
#map1 = affine_map<(d0, d1) -> (0, 0, 0)>
module attributes {stable_mosaic.version = 14 : i64} {
  func.func @k(%arg0: i32, %arg1: i32, %arg2: memref<16384x50xi32, #tpu.memory_space<hbm>>, %arg3: memref<1000000x32xf32, #tpu.memory_space<hbm>>, %arg4: memref<16384x50x32xf32, #tpu.memory_space<hbm>>, %arg5: memref<512x50xi32, #tpu.memory_space<vmem>>, %arg6: memref<16x50x32xf32, #tpu.memory_space<vmem>>, %arg7: memref<!tpu.dma_semaphore, #tpu.memory_space<semaphore_mem>>, %arg8: memref<!tpu.dma_semaphore, #tpu.memory_space<semaphore_mem>>) attributes {dimension_semantics = [#tpu.dimension_semantics<core_parallel>, #tpu.dimension_semantics<subcore_parallel>], iteration_bounds = array<i64: 2, 16>, scalar_prefetch = 0 : i64, scratch_operands = 4 : i64, tpu.core_type = #tpu.core_type<sc_vector_subcore>, window_params = [{transform_indices = #map}, {transform_indices = #map}, {transform_indices = #map1}]} {
    %mul3A = arith.constant 2 : i32
    %mul3A_0 = arith.muli %arg1, %mul3A : i32
    %add3A = arith.addi %mul3A_0, %arg0 : i32
    %mul3A_1 = arith.constant 512 : i32
    %mul3A_2 = arith.muli %add3A, %mul3A_1 : i32
    "tpu.region"() ({
      %run_scoped3A = tpu.sem_alloc : memref<!tpu.dma_semaphore, #tpu.memory_space<semaphore_mem>>
      %dma_start3A = arith.constant 0 : i32
      %dma_start3A_8 = tpu.memref_slice %arg2[%mul3A_2, %dma_start3A] : memref<16384x50xi32, #tpu.memory_space<hbm>> -> memref<512x50xi32, #tpu.memory_space<hbm>>
      %dma_start3A_9 = arith.constant 0 : i32
      %dma_start3A_10 = tpu.memref_slice %arg2[%mul3A_2, %dma_start3A_9] : memref<16384x50xi32, #tpu.memory_space<hbm>> -> memref<512x50xi32, #tpu.memory_space<hbm>>
      tpu.enqueue_dma source(%dma_start3A_10 : memref<512x50xi32, #tpu.memory_space<hbm>>) target(%arg5 : memref<512x50xi32, #tpu.memory_space<vmem>>) target_semaphore(%run_scoped3A : memref<!tpu.dma_semaphore, #tpu.memory_space<semaphore_mem>>)
      %dma_wait3A = arith.constant 0 : i32
      %dma_wait3A_11 = tpu.memref_slice %arg2[%mul3A_2, %dma_wait3A] : memref<16384x50xi32, #tpu.memory_space<hbm>> -> memref<512x50xi32, #tpu.memory_space<hbm>>
      %dma_wait3A_12 = arith.constant 0 : i32
      %dma_wait3A_13 = tpu.memref_slice %arg2[%mul3A_2, %dma_wait3A_12] : memref<16384x50xi32, #tpu.memory_space<hbm>> -> memref<512x50xi32, #tpu.memory_space<hbm>>
      tpu.wait_dma2 semaphore(%run_scoped3A : memref<!tpu.dma_semaphore, #tpu.memory_space<semaphore_mem>>) src(%dma_wait3A_13 : memref<512x50xi32, #tpu.memory_space<hbm>>) dst(%arg5 : memref<512x50xi32, #tpu.memory_space<vmem>>)
      tpu.yield
    }) : () -> ()
    %scan3A = arith.constant 0 : i32
    %scan3A_3 = arith.constant 0 : i32
    %scan3A_4 = arith.constant 32 : i32
    %scan3A_5 = arith.addi %scan3A_3, %scan3A_4 : i32
    %scan3A_6 = arith.constant 1 : i32
    scf.for %scan3A_8 = %scan3A_3 to %scan3A_5 step %scan3A_6  : i32 {
      %mul3A_9 = arith.constant 16 : i32
      %mul3A_10 = arith.muli %scan3A_8, %mul3A_9 : i32
      %add3A_11 = arith.constant 0 : i32
      %add3A_12 = arith.addi %mul3A_10, %add3A_11 : i32
      %dma_start3A = arith.constant 0 : i32
      %dma_start3A_13 = arith.constant 0 : i32
      %dma_start3A_14 = arith.constant 0 : i32
      %dma_start3A_15 = tpu.memref_slice %arg6[%dma_start3A, %dma_start3A_13, %dma_start3A_14] : memref<16x50x32xf32, #tpu.memory_space<vmem>> -> memref<1x50x32xf32, #tpu.memory_space<vmem>>
      %dma_start3A_16 = tpu.memref_squeeze %dma_start3A_15 : memref<1x50x32xf32, #tpu.memory_space<vmem>> -> memref<50x32xf32, #tpu.memory_space<vmem>>
      %dma_start3A_17 = arith.constant 0 : i32
      %dma_start3A_18 = tpu.memref_slice %arg5[%add3A_12, %dma_start3A_17] : memref<512x50xi32, #tpu.memory_space<vmem>> -> memref<1x50xi32, #tpu.memory_space<vmem>>
      %dma_start3A_19 = tpu.memref_squeeze %dma_start3A_18 : memref<1x50xi32, #tpu.memory_space<vmem>> -> memref<50xi32, #tpu.memory_space<vmem>>
      %dma_start3A_20 = arith.constant 0 : i32
      %dma_start3A_21 = arith.constant 0 : i32
      %dma_start3A_22 = tpu.memref_slice %arg3[%dma_start3A_20, %dma_start3A_21] : memref<1000000x32xf32, #tpu.memory_space<hbm>> -> memref<1000000x32xf32, #tpu.memory_space<hbm>>
      tpu.enqueue_indirect_dma source(%dma_start3A_22 : memref<1000000x32xf32, #tpu.memory_space<hbm>>) target(%dma_start3A_16 : memref<50x32xf32, #tpu.memory_space<vmem>>) offsets(%dma_start3A_19 : memref<50xi32, #tpu.memory_space<vmem>>) semaphore(%arg7 : memref<!tpu.dma_semaphore, #tpu.memory_space<semaphore_mem>>)
      %add3A_23 = arith.constant 1 : i32
      %add3A_24 = arith.addi %mul3A_10, %add3A_23 : i32
      %dma_start3A_25 = arith.constant 1 : i32
      %dma_start3A_26 = arith.constant 0 : i32
      %dma_start3A_27 = arith.constant 0 : i32
      %dma_start3A_28 = tpu.memref_slice %arg6[%dma_start3A_25, %dma_start3A_26, %dma_start3A_27] : memref<16x50x32xf32, #tpu.memory_space<vmem>> -> memref<1x50x32xf32, #tpu.memory_space<vmem>>
      %dma_start3A_29 = tpu.memref_squeeze %dma_start3A_28 : memref<1x50x32xf32, #tpu.memory_space<vmem>> -> memref<50x32xf32, #tpu.memory_space<vmem>>
      %dma_start3A_30 = arith.constant 0 : i32
      %dma_start3A_31 = tpu.memref_slice %arg5[%add3A_24, %dma_start3A_30] : memref<512x50xi32, #tpu.memory_space<vmem>> -> memref<1x50xi32, #tpu.memory_space<vmem>>
      %dma_start3A_32 = tpu.memref_squeeze %dma_start3A_31 : memref<1x50xi32, #tpu.memory_space<vmem>> -> memref<50xi32, #tpu.memory_space<vmem>>
      %dma_start3A_33 = arith.constant 0 : i32
      %dma_start3A_34 = arith.constant 0 : i32
      %dma_start3A_35 = tpu.memref_slice %arg3[%dma_start3A_33, %dma_start3A_34] : memref<1000000x32xf32, #tpu.memory_space<hbm>> -> memref<1000000x32xf32, #tpu.memory_space<hbm>>
      tpu.enqueue_indirect_dma source(%dma_start3A_35 : memref<1000000x32xf32, #tpu.memory_space<hbm>>) target(%dma_start3A_29 : memref<50x32xf32, #tpu.memory_space<vmem>>) offsets(%dma_start3A_32 : memref<50xi32, #tpu.memory_space<vmem>>) semaphore(%arg7 : memref<!tpu.dma_semaphore, #tpu.memory_space<semaphore_mem>>)
      %add3A_36 = arith.constant 2 : i32
      %add3A_37 = arith.addi %mul3A_10, %add3A_36 : i32
      %dma_start3A_38 = arith.constant 2 : i32
      %dma_start3A_39 = arith.constant 0 : i32
      %dma_start3A_40 = arith.constant 0 : i32
      %dma_start3A_41 = tpu.memref_slice %arg6[%dma_start3A_38, %dma_start3A_39, %dma_start3A_40] : memref<16x50x32xf32, #tpu.memory_space<vmem>> -> memref<1x50x32xf32, #tpu.memory_space<vmem>>
      %dma_start3A_42 = tpu.memref_squeeze %dma_start3A_41 : memref<1x50x32xf32, #tpu.memory_space<vmem>> -> memref<50x32xf32, #tpu.memory_space<vmem>>
      %dma_start3A_43 = arith.constant 0 : i32
      %dma_start3A_44 = tpu.memref_slice %arg5[%add3A_37, %dma_start3A_43] : memref<512x50xi32, #tpu.memory_space<vmem>> -> memref<1x50xi32, #tpu.memory_space<vmem>>
      %dma_start3A_45 = tpu.memref_squeeze %dma_start3A_44 : memref<1x50xi32, #tpu.memory_space<vmem>> -> memref<50xi32, #tpu.memory_space<vmem>>
      %dma_start3A_46 = arith.constant 0 : i32
      %dma_start3A_47 = arith.constant 0 : i32
      %dma_start3A_48 = tpu.memref_slice %arg3[%dma_start3A_46, %dma_start3A_47] : memref<1000000x32xf32, #tpu.memory_space<hbm>> -> memref<1000000x32xf32, #tpu.memory_space<hbm>>
      tpu.enqueue_indirect_dma source(%dma_start3A_48 : memref<1000000x32xf32, #tpu.memory_space<hbm>>) target(%dma_start3A_42 : memref<50x32xf32, #tpu.memory_space<vmem>>) offsets(%dma_start3A_45 : memref<50xi32, #tpu.memory_space<vmem>>) semaphore(%arg7 : memref<!tpu.dma_semaphore, #tpu.memory_space<semaphore_mem>>)
      %add3A_49 = arith.constant 3 : i32
      %add3A_50 = arith.addi %mul3A_10, %add3A_49 : i32
      %dma_start3A_51 = arith.constant 3 : i32
      %dma_start3A_52 = arith.constant 0 : i32
      %dma_start3A_53 = arith.constant 0 : i32
      %dma_start3A_54 = tpu.memref_slice %arg6[%dma_start3A_51, %dma_start3A_52, %dma_start3A_53] : memref<16x50x32xf32, #tpu.memory_space<vmem>> -> memref<1x50x32xf32, #tpu.memory_space<vmem>>
      %dma_start3A_55 = tpu.memref_squeeze %dma_start3A_54 : memref<1x50x32xf32, #tpu.memory_space<vmem>> -> memref<50x32xf32, #tpu.memory_space<vmem>>
      %dma_start3A_56 = arith.constant 0 : i32
      %dma_start3A_57 = tpu.memref_slice %arg5[%add3A_50, %dma_start3A_56] : memref<512x50xi32, #tpu.memory_space<vmem>> -> memref<1x50xi32, #tpu.memory_space<vmem>>
      %dma_start3A_58 = tpu.memref_squeeze %dma_start3A_57 : memref<1x50xi32, #tpu.memory_space<vmem>> -> memref<50xi32, #tpu.memory_space<vmem>>
      %dma_start3A_59 = arith.constant 0 : i32
      %dma_start3A_60 = arith.constant 0 : i32
      %dma_start3A_61 = tpu.memref_slice %arg3[%dma_start3A_59, %dma_start3A_60] : memref<1000000x32xf32, #tpu.memory_space<hbm>> -> memref<1000000x32xf32, #tpu.memory_space<hbm>>
      tpu.enqueue_indirect_dma source(%dma_start3A_61 : memref<1000000x32xf32, #tpu.memory_space<hbm>>) target(%dma_start3A_55 : memref<50x32xf32, #tpu.memory_space<vmem>>) offsets(%dma_start3A_58 : memref<50xi32, #tpu.memory_space<vmem>>) semaphore(%arg7 : memref<!tpu.dma_semaphore, #tpu.memory_space<semaphore_mem>>)
      %add3A_62 = arith.constant 4 : i32
      %add3A_63 = arith.addi %mul3A_10, %add3A_62 : i32
      %dma_start3A_64 = arith.constant 4 : i32
      %dma_start3A_65 = arith.constant 0 : i32
      %dma_start3A_66 = arith.constant 0 : i32
      %dma_start3A_67 = tpu.memref_slice %arg6[%dma_start3A_64, %dma_start3A_65, %dma_start3A_66] : memref<16x50x32xf32, #tpu.memory_space<vmem>> -> memref<1x50x32xf32, #tpu.memory_space<vmem>>
      %dma_start3A_68 = tpu.memref_squeeze %dma_start3A_67 : memref<1x50x32xf32, #tpu.memory_space<vmem>> -> memref<50x32xf32, #tpu.memory_space<vmem>>
      %dma_start3A_69 = arith.constant 0 : i32
      %dma_start3A_70 = tpu.memref_slice %arg5[%add3A_63, %dma_start3A_69] : memref<512x50xi32, #tpu.memory_space<vmem>> -> memref<1x50xi32, #tpu.memory_space<vmem>>
      %dma_start3A_71 = tpu.memref_squeeze %dma_start3A_70 : memref<1x50xi32, #tpu.memory_space<vmem>> -> memref<50xi32, #tpu.memory_space<vmem>>
      %dma_start3A_72 = arith.constant 0 : i32
      %dma_start3A_73 = arith.constant 0 : i32
      %dma_start3A_74 = tpu.memref_slice %arg3[%dma_start3A_72, %dma_start3A_73] : memref<1000000x32xf32, #tpu.memory_space<hbm>> -> memref<1000000x32xf32, #tpu.memory_space<hbm>>
      tpu.enqueue_indirect_dma source(%dma_start3A_74 : memref<1000000x32xf32, #tpu.memory_space<hbm>>) target(%dma_start3A_68 : memref<50x32xf32, #tpu.memory_space<vmem>>) offsets(%dma_start3A_71 : memref<50xi32, #tpu.memory_space<vmem>>) semaphore(%arg7 : memref<!tpu.dma_semaphore, #tpu.memory_space<semaphore_mem>>)
      %add3A_75 = arith.constant 5 : i32
      %add3A_76 = arith.addi %mul3A_10, %add3A_75 : i32
      %dma_start3A_77 = arith.constant 5 : i32
      %dma_start3A_78 = arith.constant 0 : i32
      %dma_start3A_79 = arith.constant 0 : i32
      %dma_start3A_80 = tpu.memref_slice %arg6[%dma_start3A_77, %dma_start3A_78, %dma_start3A_79] : memref<16x50x32xf32, #tpu.memory_space<vmem>> -> memref<1x50x32xf32, #tpu.memory_space<vmem>>
      %dma_start3A_81 = tpu.memref_squeeze %dma_start3A_80 : memref<1x50x32xf32, #tpu.memory_space<vmem>> -> memref<50x32xf32, #tpu.memory_space<vmem>>
      %dma_start3A_82 = arith.constant 0 : i32
      %dma_start3A_83 = tpu.memref_slice %arg5[%add3A_76, %dma_start3A_82] : memref<512x50xi32, #tpu.memory_space<vmem>> -> memref<1x50xi32, #tpu.memory_space<vmem>>
      %dma_start3A_84 = tpu.memref_squeeze %dma_start3A_83 : memref<1x50xi32, #tpu.memory_space<vmem>> -> memref<50xi32, #tpu.memory_space<vmem>>
      %dma_start3A_85 = arith.constant 0 : i32
      %dma_start3A_86 = arith.constant 0 : i32
      %dma_start3A_87 = tpu.memref_slice %arg3[%dma_start3A_85, %dma_start3A_86] : memref<1000000x32xf32, #tpu.memory_space<hbm>> -> memref<1000000x32xf32, #tpu.memory_space<hbm>>
      tpu.enqueue_indirect_dma source(%dma_start3A_87 : memref<1000000x32xf32, #tpu.memory_space<hbm>>) target(%dma_start3A_81 : memref<50x32xf32, #tpu.memory_space<vmem>>) offsets(%dma_start3A_84 : memref<50xi32, #tpu.memory_space<vmem>>) semaphore(%arg7 : memref<!tpu.dma_semaphore, #tpu.memory_space<semaphore_mem>>)
      %add3A_88 = arith.constant 6 : i32
      %add3A_89 = arith.addi %mul3A_10, %add3A_88 : i32
      %dma_start3A_90 = arith.constant 6 : i32
      %dma_start3A_91 = arith.constant 0 : i32
      %dma_start3A_92 = arith.constant 0 : i32
      %dma_start3A_93 = tpu.memref_slice %arg6[%dma_start3A_90, %dma_start3A_91, %dma_start3A_92] : memref<16x50x32xf32, #tpu.memory_space<vmem>> -> memref<1x50x32xf32, #tpu.memory_space<vmem>>
      %dma_start3A_94 = tpu.memref_squeeze %dma_start3A_93 : memref<1x50x32xf32, #tpu.memory_space<vmem>> -> memref<50x32xf32, #tpu.memory_space<vmem>>
      %dma_start3A_95 = arith.constant 0 : i32
      %dma_start3A_96 = tpu.memref_slice %arg5[%add3A_89, %dma_start3A_95] : memref<512x50xi32, #tpu.memory_space<vmem>> -> memref<1x50xi32, #tpu.memory_space<vmem>>
      %dma_start3A_97 = tpu.memref_squeeze %dma_start3A_96 : memref<1x50xi32, #tpu.memory_space<vmem>> -> memref<50xi32, #tpu.memory_space<vmem>>
      %dma_start3A_98 = arith.constant 0 : i32
      %dma_start3A_99 = arith.constant 0 : i32
      %dma_start3A_100 = tpu.memref_slice %arg3[%dma_start3A_98, %dma_start3A_99] : memref<1000000x32xf32, #tpu.memory_space<hbm>> -> memref<1000000x32xf32, #tpu.memory_space<hbm>>
      tpu.enqueue_indirect_dma source(%dma_start3A_100 : memref<1000000x32xf32, #tpu.memory_space<hbm>>) target(%dma_start3A_94 : memref<50x32xf32, #tpu.memory_space<vmem>>) offsets(%dma_start3A_97 : memref<50xi32, #tpu.memory_space<vmem>>) semaphore(%arg7 : memref<!tpu.dma_semaphore, #tpu.memory_space<semaphore_mem>>)
      %add3A_101 = arith.constant 7 : i32
      %add3A_102 = arith.addi %mul3A_10, %add3A_101 : i32
      %dma_start3A_103 = arith.constant 7 : i32
      %dma_start3A_104 = arith.constant 0 : i32
      %dma_start3A_105 = arith.constant 0 : i32
      %dma_start3A_106 = tpu.memref_slice %arg6[%dma_start3A_103, %dma_start3A_104, %dma_start3A_105] : memref<16x50x32xf32, #tpu.memory_space<vmem>> -> memref<1x50x32xf32, #tpu.memory_space<vmem>>
      %dma_start3A_107 = tpu.memref_squeeze %dma_start3A_106 : memref<1x50x32xf32, #tpu.memory_space<vmem>> -> memref<50x32xf32, #tpu.memory_space<vmem>>
      %dma_start3A_108 = arith.constant 0 : i32
      %dma_start3A_109 = tpu.memref_slice %arg5[%add3A_102, %dma_start3A_108] : memref<512x50xi32, #tpu.memory_space<vmem>> -> memref<1x50xi32, #tpu.memory_space<vmem>>
      %dma_start3A_110 = tpu.memref_squeeze %dma_start3A_109 : memref<1x50xi32, #tpu.memory_space<vmem>> -> memref<50xi32, #tpu.memory_space<vmem>>
      %dma_start3A_111 = arith.constant 0 : i32
      %dma_start3A_112 = arith.constant 0 : i32
      %dma_start3A_113 = tpu.memref_slice %arg3[%dma_start3A_111, %dma_start3A_112] : memref<1000000x32xf32, #tpu.memory_space<hbm>> -> memref<1000000x32xf32, #tpu.memory_space<hbm>>
      tpu.enqueue_indirect_dma source(%dma_start3A_113 : memref<1000000x32xf32, #tpu.memory_space<hbm>>) target(%dma_start3A_107 : memref<50x32xf32, #tpu.memory_space<vmem>>) offsets(%dma_start3A_110 : memref<50xi32, #tpu.memory_space<vmem>>) semaphore(%arg7 : memref<!tpu.dma_semaphore, #tpu.memory_space<semaphore_mem>>)
      %add3A_114 = arith.constant 8 : i32
      %add3A_115 = arith.addi %mul3A_10, %add3A_114 : i32
      %dma_start3A_116 = arith.constant 8 : i32
      %dma_start3A_117 = arith.constant 0 : i32
      %dma_start3A_118 = arith.constant 0 : i32
      %dma_start3A_119 = tpu.memref_slice %arg6[%dma_start3A_116, %dma_start3A_117, %dma_start3A_118] : memref<16x50x32xf32, #tpu.memory_space<vmem>> -> memref<1x50x32xf32, #tpu.memory_space<vmem>>
      %dma_start3A_120 = tpu.memref_squeeze %dma_start3A_119 : memref<1x50x32xf32, #tpu.memory_space<vmem>> -> memref<50x32xf32, #tpu.memory_space<vmem>>
      %dma_start3A_121 = arith.constant 0 : i32
      %dma_start3A_122 = tpu.memref_slice %arg5[%add3A_115, %dma_start3A_121] : memref<512x50xi32, #tpu.memory_space<vmem>> -> memref<1x50xi32, #tpu.memory_space<vmem>>
      %dma_start3A_123 = tpu.memref_squeeze %dma_start3A_122 : memref<1x50xi32, #tpu.memory_space<vmem>> -> memref<50xi32, #tpu.memory_space<vmem>>
      %dma_start3A_124 = arith.constant 0 : i32
      %dma_start3A_125 = arith.constant 0 : i32
      %dma_start3A_126 = tpu.memref_slice %arg3[%dma_start3A_124, %dma_start3A_125] : memref<1000000x32xf32, #tpu.memory_space<hbm>> -> memref<1000000x32xf32, #tpu.memory_space<hbm>>
      tpu.enqueue_indirect_dma source(%dma_start3A_126 : memref<1000000x32xf32, #tpu.memory_space<hbm>>) target(%dma_start3A_120 : memref<50x32xf32, #tpu.memory_space<vmem>>) offsets(%dma_start3A_123 : memref<50xi32, #tpu.memory_space<vmem>>) semaphore(%arg7 : memref<!tpu.dma_semaphore, #tpu.memory_space<semaphore_mem>>)
      %add3A_127 = arith.constant 9 : i32
      %add3A_128 = arith.addi %mul3A_10, %add3A_127 : i32
      %dma_start3A_129 = arith.constant 9 : i32
      %dma_start3A_130 = arith.constant 0 : i32
      %dma_start3A_131 = arith.constant 0 : i32
      %dma_start3A_132 = tpu.memref_slice %arg6[%dma_start3A_129, %dma_start3A_130, %dma_start3A_131] : memref<16x50x32xf32, #tpu.memory_space<vmem>> -> memref<1x50x32xf32, #tpu.memory_space<vmem>>
      %dma_start3A_133 = tpu.memref_squeeze %dma_start3A_132 : memref<1x50x32xf32, #tpu.memory_space<vmem>> -> memref<50x32xf32, #tpu.memory_space<vmem>>
      %dma_start3A_134 = arith.constant 0 : i32
      %dma_start3A_135 = tpu.memref_slice %arg5[%add3A_128, %dma_start3A_134] : memref<512x50xi32, #tpu.memory_space<vmem>> -> memref<1x50xi32, #tpu.memory_space<vmem>>
      %dma_start3A_136 = tpu.memref_squeeze %dma_start3A_135 : memref<1x50xi32, #tpu.memory_space<vmem>> -> memref<50xi32, #tpu.memory_space<vmem>>
      %dma_start3A_137 = arith.constant 0 : i32
      %dma_start3A_138 = arith.constant 0 : i32
      %dma_start3A_139 = tpu.memref_slice %arg3[%dma_start3A_137, %dma_start3A_138] : memref<1000000x32xf32, #tpu.memory_space<hbm>> -> memref<1000000x32xf32, #tpu.memory_space<hbm>>
      tpu.enqueue_indirect_dma source(%dma_start3A_139 : memref<1000000x32xf32, #tpu.memory_space<hbm>>) target(%dma_start3A_133 : memref<50x32xf32, #tpu.memory_space<vmem>>) offsets(%dma_start3A_136 : memref<50xi32, #tpu.memory_space<vmem>>) semaphore(%arg7 : memref<!tpu.dma_semaphore, #tpu.memory_space<semaphore_mem>>)
      %add3A_140 = arith.constant 10 : i32
      %add3A_141 = arith.addi %mul3A_10, %add3A_140 : i32
      %dma_start3A_142 = arith.constant 10 : i32
      %dma_start3A_143 = arith.constant 0 : i32
      %dma_start3A_144 = arith.constant 0 : i32
      %dma_start3A_145 = tpu.memref_slice %arg6[%dma_start3A_142, %dma_start3A_143, %dma_start3A_144] : memref<16x50x32xf32, #tpu.memory_space<vmem>> -> memref<1x50x32xf32, #tpu.memory_space<vmem>>
      %dma_start3A_146 = tpu.memref_squeeze %dma_start3A_145 : memref<1x50x32xf32, #tpu.memory_space<vmem>> -> memref<50x32xf32, #tpu.memory_space<vmem>>
      %dma_start3A_147 = arith.constant 0 : i32
      %dma_start3A_148 = tpu.memref_slice %arg5[%add3A_141, %dma_start3A_147] : memref<512x50xi32, #tpu.memory_space<vmem>> -> memref<1x50xi32, #tpu.memory_space<vmem>>
      %dma_start3A_149 = tpu.memref_squeeze %dma_start3A_148 : memref<1x50xi32, #tpu.memory_space<vmem>> -> memref<50xi32, #tpu.memory_space<vmem>>
      %dma_start3A_150 = arith.constant 0 : i32
      %dma_start3A_151 = arith.constant 0 : i32
      %dma_start3A_152 = tpu.memref_slice %arg3[%dma_start3A_150, %dma_start3A_151] : memref<1000000x32xf32, #tpu.memory_space<hbm>> -> memref<1000000x32xf32, #tpu.memory_space<hbm>>
      tpu.enqueue_indirect_dma source(%dma_start3A_152 : memref<1000000x32xf32, #tpu.memory_space<hbm>>) target(%dma_start3A_146 : memref<50x32xf32, #tpu.memory_space<vmem>>) offsets(%dma_start3A_149 : memref<50xi32, #tpu.memory_space<vmem>>) semaphore(%arg7 : memref<!tpu.dma_semaphore, #tpu.memory_space<semaphore_mem>>)
      %add3A_153 = arith.constant 11 : i32
      %add3A_154 = arith.addi %mul3A_10, %add3A_153 : i32
      %dma_start3A_155 = arith.constant 11 : i32
      %dma_start3A_156 = arith.constant 0 : i32
      %dma_start3A_157 = arith.constant 0 : i32
      %dma_start3A_158 = tpu.memref_slice %arg6[%dma_start3A_155, %dma_start3A_156, %dma_start3A_157] : memref<16x50x32xf32, #tpu.memory_space<vmem>> -> memref<1x50x32xf32, #tpu.memory_space<vmem>>
      %dma_start3A_159 = tpu.memref_squeeze %dma_start3A_158 : memref<1x50x32xf32, #tpu.memory_space<vmem>> -> memref<50x32xf32, #tpu.memory_space<vmem>>
      %dma_start3A_160 = arith.constant 0 : i32
      %dma_start3A_161 = tpu.memref_slice %arg5[%add3A_154, %dma_start3A_160] : memref<512x50xi32, #tpu.memory_space<vmem>> -> memref<1x50xi32, #tpu.memory_space<vmem>>
      %dma_start3A_162 = tpu.memref_squeeze %dma_start3A_161 : memref<1x50xi32, #tpu.memory_space<vmem>> -> memref<50xi32, #tpu.memory_space<vmem>>
      %dma_start3A_163 = arith.constant 0 : i32
      %dma_start3A_164 = arith.constant 0 : i32
      %dma_start3A_165 = tpu.memref_slice %arg3[%dma_start3A_163, %dma_start3A_164] : memref<1000000x32xf32, #tpu.memory_space<hbm>> -> memref<1000000x32xf32, #tpu.memory_space<hbm>>
      tpu.enqueue_indirect_dma source(%dma_start3A_165 : memref<1000000x32xf32, #tpu.memory_space<hbm>>) target(%dma_start3A_159 : memref<50x32xf32, #tpu.memory_space<vmem>>) offsets(%dma_start3A_162 : memref<50xi32, #tpu.memory_space<vmem>>) semaphore(%arg7 : memref<!tpu.dma_semaphore, #tpu.memory_space<semaphore_mem>>)
      %add3A_166 = arith.constant 12 : i32
      %add3A_167 = arith.addi %mul3A_10, %add3A_166 : i32
      %dma_start3A_168 = arith.constant 12 : i32
      %dma_start3A_169 = arith.constant 0 : i32
      %dma_start3A_170 = arith.constant 0 : i32
      %dma_start3A_171 = tpu.memref_slice %arg6[%dma_start3A_168, %dma_start3A_169, %dma_start3A_170] : memref<16x50x32xf32, #tpu.memory_space<vmem>> -> memref<1x50x32xf32, #tpu.memory_space<vmem>>
      %dma_start3A_172 = tpu.memref_squeeze %dma_start3A_171 : memref<1x50x32xf32, #tpu.memory_space<vmem>> -> memref<50x32xf32, #tpu.memory_space<vmem>>
      %dma_start3A_173 = arith.constant 0 : i32
      %dma_start3A_174 = tpu.memref_slice %arg5[%add3A_167, %dma_start3A_173] : memref<512x50xi32, #tpu.memory_space<vmem>> -> memref<1x50xi32, #tpu.memory_space<vmem>>
      %dma_start3A_175 = tpu.memref_squeeze %dma_start3A_174 : memref<1x50xi32, #tpu.memory_space<vmem>> -> memref<50xi32, #tpu.memory_space<vmem>>
      %dma_start3A_176 = arith.constant 0 : i32
      %dma_start3A_177 = arith.constant 0 : i32
      %dma_start3A_178 = tpu.memref_slice %arg3[%dma_start3A_176, %dma_start3A_177] : memref<1000000x32xf32, #tpu.memory_space<hbm>> -> memref<1000000x32xf32, #tpu.memory_space<hbm>>
      tpu.enqueue_indirect_dma source(%dma_start3A_178 : memref<1000000x32xf32, #tpu.memory_space<hbm>>) target(%dma_start3A_172 : memref<50x32xf32, #tpu.memory_space<vmem>>) offsets(%dma_start3A_175 : memref<50xi32, #tpu.memory_space<vmem>>) semaphore(%arg7 : memref<!tpu.dma_semaphore, #tpu.memory_space<semaphore_mem>>)
      %add3A_179 = arith.constant 13 : i32
      %add3A_180 = arith.addi %mul3A_10, %add3A_179 : i32
      %dma_start3A_181 = arith.constant 13 : i32
      %dma_start3A_182 = arith.constant 0 : i32
      %dma_start3A_183 = arith.constant 0 : i32
      %dma_start3A_184 = tpu.memref_slice %arg6[%dma_start3A_181, %dma_start3A_182, %dma_start3A_183] : memref<16x50x32xf32, #tpu.memory_space<vmem>> -> memref<1x50x32xf32, #tpu.memory_space<vmem>>
      %dma_start3A_185 = tpu.memref_squeeze %dma_start3A_184 : memref<1x50x32xf32, #tpu.memory_space<vmem>> -> memref<50x32xf32, #tpu.memory_space<vmem>>
      %dma_start3A_186 = arith.constant 0 : i32
      %dma_start3A_187 = tpu.memref_slice %arg5[%add3A_180, %dma_start3A_186] : memref<512x50xi32, #tpu.memory_space<vmem>> -> memref<1x50xi32, #tpu.memory_space<vmem>>
      %dma_start3A_188 = tpu.memref_squeeze %dma_start3A_187 : memref<1x50xi32, #tpu.memory_space<vmem>> -> memref<50xi32, #tpu.memory_space<vmem>>
      %dma_start3A_189 = arith.constant 0 : i32
      %dma_start3A_190 = arith.constant 0 : i32
      %dma_start3A_191 = tpu.memref_slice %arg3[%dma_start3A_189, %dma_start3A_190] : memref<1000000x32xf32, #tpu.memory_space<hbm>> -> memref<1000000x32xf32, #tpu.memory_space<hbm>>
      tpu.enqueue_indirect_dma source(%dma_start3A_191 : memref<1000000x32xf32, #tpu.memory_space<hbm>>) target(%dma_start3A_185 : memref<50x32xf32, #tpu.memory_space<vmem>>) offsets(%dma_start3A_188 : memref<50xi32, #tpu.memory_space<vmem>>) semaphore(%arg7 : memref<!tpu.dma_semaphore, #tpu.memory_space<semaphore_mem>>)
      %add3A_192 = arith.constant 14 : i32
      %add3A_193 = arith.addi %mul3A_10, %add3A_192 : i32
      %dma_start3A_194 = arith.constant 14 : i32
      %dma_start3A_195 = arith.constant 0 : i32
      %dma_start3A_196 = arith.constant 0 : i32
      %dma_start3A_197 = tpu.memref_slice %arg6[%dma_start3A_194, %dma_start3A_195, %dma_start3A_196] : memref<16x50x32xf32, #tpu.memory_space<vmem>> -> memref<1x50x32xf32, #tpu.memory_space<vmem>>
      %dma_start3A_198 = tpu.memref_squeeze %dma_start3A_197 : memref<1x50x32xf32, #tpu.memory_space<vmem>> -> memref<50x32xf32, #tpu.memory_space<vmem>>
      %dma_start3A_199 = arith.constant 0 : i32
      %dma_start3A_200 = tpu.memref_slice %arg5[%add3A_193, %dma_start3A_199] : memref<512x50xi32, #tpu.memory_space<vmem>> -> memref<1x50xi32, #tpu.memory_space<vmem>>
      %dma_start3A_201 = tpu.memref_squeeze %dma_start3A_200 : memref<1x50xi32, #tpu.memory_space<vmem>> -> memref<50xi32, #tpu.memory_space<vmem>>
      %dma_start3A_202 = arith.constant 0 : i32
      %dma_start3A_203 = arith.constant 0 : i32
      %dma_start3A_204 = tpu.memref_slice %arg3[%dma_start3A_202, %dma_start3A_203] : memref<1000000x32xf32, #tpu.memory_space<hbm>> -> memref<1000000x32xf32, #tpu.memory_space<hbm>>
      tpu.enqueue_indirect_dma source(%dma_start3A_204 : memref<1000000x32xf32, #tpu.memory_space<hbm>>) target(%dma_start3A_198 : memref<50x32xf32, #tpu.memory_space<vmem>>) offsets(%dma_start3A_201 : memref<50xi32, #tpu.memory_space<vmem>>) semaphore(%arg7 : memref<!tpu.dma_semaphore, #tpu.memory_space<semaphore_mem>>)
      %add3A_205 = arith.constant 15 : i32
      %add3A_206 = arith.addi %mul3A_10, %add3A_205 : i32
      %dma_start3A_207 = arith.constant 15 : i32
      %dma_start3A_208 = arith.constant 0 : i32
      %dma_start3A_209 = arith.constant 0 : i32
      %dma_start3A_210 = tpu.memref_slice %arg6[%dma_start3A_207, %dma_start3A_208, %dma_start3A_209] : memref<16x50x32xf32, #tpu.memory_space<vmem>> -> memref<1x50x32xf32, #tpu.memory_space<vmem>>
      %dma_start3A_211 = tpu.memref_squeeze %dma_start3A_210 : memref<1x50x32xf32, #tpu.memory_space<vmem>> -> memref<50x32xf32, #tpu.memory_space<vmem>>
      %dma_start3A_212 = arith.constant 0 : i32
      %dma_start3A_213 = tpu.memref_slice %arg5[%add3A_206, %dma_start3A_212] : memref<512x50xi32, #tpu.memory_space<vmem>> -> memref<1x50xi32, #tpu.memory_space<vmem>>
      %dma_start3A_214 = tpu.memref_squeeze %dma_start3A_213 : memref<1x50xi32, #tpu.memory_space<vmem>> -> memref<50xi32, #tpu.memory_space<vmem>>
      %dma_start3A_215 = arith.constant 0 : i32
      %dma_start3A_216 = arith.constant 0 : i32
      %dma_start3A_217 = tpu.memref_slice %arg3[%dma_start3A_215, %dma_start3A_216] : memref<1000000x32xf32, #tpu.memory_space<hbm>> -> memref<1000000x32xf32, #tpu.memory_space<hbm>>
      tpu.enqueue_indirect_dma source(%dma_start3A_217 : memref<1000000x32xf32, #tpu.memory_space<hbm>>) target(%dma_start3A_211 : memref<50x32xf32, #tpu.memory_space<vmem>>) offsets(%dma_start3A_214 : memref<50xi32, #tpu.memory_space<vmem>>) semaphore(%arg7 : memref<!tpu.dma_semaphore, #tpu.memory_space<semaphore_mem>>)
      %dma_wait3A = arith.constant 0 : i32
      %dma_wait3A_218 = arith.constant 0 : i32
      %dma_wait3A_219 = arith.constant 0 : i32
      %dma_wait3A_220 = tpu.memref_slice %arg6[%dma_wait3A, %dma_wait3A_218, %dma_wait3A_219] : memref<16x50x32xf32, #tpu.memory_space<vmem>> -> memref<1x50x32xf32, #tpu.memory_space<vmem>>
      %dma_wait3A_221 = tpu.memref_squeeze %dma_wait3A_220 : memref<1x50x32xf32, #tpu.memory_space<vmem>> -> memref<50x32xf32, #tpu.memory_space<vmem>>
      %dma_wait3A_222 = arith.constant 0 : i32
      %dma_wait3A_223 = tpu.memref_slice %arg5[%add3A_12, %dma_wait3A_222] : memref<512x50xi32, #tpu.memory_space<vmem>> -> memref<1x50xi32, #tpu.memory_space<vmem>>
      %dma_wait3A_224 = tpu.memref_squeeze %dma_wait3A_223 : memref<1x50xi32, #tpu.memory_space<vmem>> -> memref<50xi32, #tpu.memory_space<vmem>>
      %dma_wait3A_225 = arith.constant 0 : i32
      %dma_wait3A_226 = arith.constant 0 : i32
      %dma_wait3A_227 = tpu.memref_slice %arg3[%dma_wait3A_225, %dma_wait3A_226] : memref<1000000x32xf32, #tpu.memory_space<hbm>> -> memref<1000000x32xf32, #tpu.memory_space<hbm>>
      tpu.wait_indirect_dma semaphore(%arg7 : memref<!tpu.dma_semaphore, #tpu.memory_space<semaphore_mem>>) src(%dma_wait3A_227 : memref<1000000x32xf32, #tpu.memory_space<hbm>>) dst(%dma_wait3A_221 : memref<50x32xf32, #tpu.memory_space<vmem>>)
      %dma_wait3A_228 = arith.constant 1 : i32
      %dma_wait3A_229 = arith.constant 0 : i32
      %dma_wait3A_230 = arith.constant 0 : i32
      %dma_wait3A_231 = tpu.memref_slice %arg6[%dma_wait3A_228, %dma_wait3A_229, %dma_wait3A_230] : memref<16x50x32xf32, #tpu.memory_space<vmem>> -> memref<1x50x32xf32, #tpu.memory_space<vmem>>
      %dma_wait3A_232 = tpu.memref_squeeze %dma_wait3A_231 : memref<1x50x32xf32, #tpu.memory_space<vmem>> -> memref<50x32xf32, #tpu.memory_space<vmem>>
      %dma_wait3A_233 = arith.constant 0 : i32
      %dma_wait3A_234 = tpu.memref_slice %arg5[%add3A_24, %dma_wait3A_233] : memref<512x50xi32, #tpu.memory_space<vmem>> -> memref<1x50xi32, #tpu.memory_space<vmem>>
      %dma_wait3A_235 = tpu.memref_squeeze %dma_wait3A_234 : memref<1x50xi32, #tpu.memory_space<vmem>> -> memref<50xi32, #tpu.memory_space<vmem>>
      %dma_wait3A_236 = arith.constant 0 : i32
      %dma_wait3A_237 = arith.constant 0 : i32
      %dma_wait3A_238 = tpu.memref_slice %arg3[%dma_wait3A_236, %dma_wait3A_237] : memref<1000000x32xf32, #tpu.memory_space<hbm>> -> memref<1000000x32xf32, #tpu.memory_space<hbm>>
      tpu.wait_indirect_dma semaphore(%arg7 : memref<!tpu.dma_semaphore, #tpu.memory_space<semaphore_mem>>) src(%dma_wait3A_238 : memref<1000000x32xf32, #tpu.memory_space<hbm>>) dst(%dma_wait3A_232 : memref<50x32xf32, #tpu.memory_space<vmem>>)
      %dma_wait3A_239 = arith.constant 2 : i32
      %dma_wait3A_240 = arith.constant 0 : i32
      %dma_wait3A_241 = arith.constant 0 : i32
      %dma_wait3A_242 = tpu.memref_slice %arg6[%dma_wait3A_239, %dma_wait3A_240, %dma_wait3A_241] : memref<16x50x32xf32, #tpu.memory_space<vmem>> -> memref<1x50x32xf32, #tpu.memory_space<vmem>>
      %dma_wait3A_243 = tpu.memref_squeeze %dma_wait3A_242 : memref<1x50x32xf32, #tpu.memory_space<vmem>> -> memref<50x32xf32, #tpu.memory_space<vmem>>
      %dma_wait3A_244 = arith.constant 0 : i32
      %dma_wait3A_245 = tpu.memref_slice %arg5[%add3A_37, %dma_wait3A_244] : memref<512x50xi32, #tpu.memory_space<vmem>> -> memref<1x50xi32, #tpu.memory_space<vmem>>
      %dma_wait3A_246 = tpu.memref_squeeze %dma_wait3A_245 : memref<1x50xi32, #tpu.memory_space<vmem>> -> memref<50xi32, #tpu.memory_space<vmem>>
      %dma_wait3A_247 = arith.constant 0 : i32
      %dma_wait3A_248 = arith.constant 0 : i32
      %dma_wait3A_249 = tpu.memref_slice %arg3[%dma_wait3A_247, %dma_wait3A_248] : memref<1000000x32xf32, #tpu.memory_space<hbm>> -> memref<1000000x32xf32, #tpu.memory_space<hbm>>
      tpu.wait_indirect_dma semaphore(%arg7 : memref<!tpu.dma_semaphore, #tpu.memory_space<semaphore_mem>>) src(%dma_wait3A_249 : memref<1000000x32xf32, #tpu.memory_space<hbm>>) dst(%dma_wait3A_243 : memref<50x32xf32, #tpu.memory_space<vmem>>)
      %dma_wait3A_250 = arith.constant 3 : i32
      %dma_wait3A_251 = arith.constant 0 : i32
      %dma_wait3A_252 = arith.constant 0 : i32
      %dma_wait3A_253 = tpu.memref_slice %arg6[%dma_wait3A_250, %dma_wait3A_251, %dma_wait3A_252] : memref<16x50x32xf32, #tpu.memory_space<vmem>> -> memref<1x50x32xf32, #tpu.memory_space<vmem>>
      %dma_wait3A_254 = tpu.memref_squeeze %dma_wait3A_253 : memref<1x50x32xf32, #tpu.memory_space<vmem>> -> memref<50x32xf32, #tpu.memory_space<vmem>>
      %dma_wait3A_255 = arith.constant 0 : i32
      %dma_wait3A_256 = tpu.memref_slice %arg5[%add3A_50, %dma_wait3A_255] : memref<512x50xi32, #tpu.memory_space<vmem>> -> memref<1x50xi32, #tpu.memory_space<vmem>>
      %dma_wait3A_257 = tpu.memref_squeeze %dma_wait3A_256 : memref<1x50xi32, #tpu.memory_space<vmem>> -> memref<50xi32, #tpu.memory_space<vmem>>
      %dma_wait3A_258 = arith.constant 0 : i32
      %dma_wait3A_259 = arith.constant 0 : i32
      %dma_wait3A_260 = tpu.memref_slice %arg3[%dma_wait3A_258, %dma_wait3A_259] : memref<1000000x32xf32, #tpu.memory_space<hbm>> -> memref<1000000x32xf32, #tpu.memory_space<hbm>>
      tpu.wait_indirect_dma semaphore(%arg7 : memref<!tpu.dma_semaphore, #tpu.memory_space<semaphore_mem>>) src(%dma_wait3A_260 : memref<1000000x32xf32, #tpu.memory_space<hbm>>) dst(%dma_wait3A_254 : memref<50x32xf32, #tpu.memory_space<vmem>>)
      %dma_wait3A_261 = arith.constant 4 : i32
      %dma_wait3A_262 = arith.constant 0 : i32
      %dma_wait3A_263 = arith.constant 0 : i32
      %dma_wait3A_264 = tpu.memref_slice %arg6[%dma_wait3A_261, %dma_wait3A_262, %dma_wait3A_263] : memref<16x50x32xf32, #tpu.memory_space<vmem>> -> memref<1x50x32xf32, #tpu.memory_space<vmem>>
      %dma_wait3A_265 = tpu.memref_squeeze %dma_wait3A_264 : memref<1x50x32xf32, #tpu.memory_space<vmem>> -> memref<50x32xf32, #tpu.memory_space<vmem>>
      %dma_wait3A_266 = arith.constant 0 : i32
      %dma_wait3A_267 = tpu.memref_slice %arg5[%add3A_63, %dma_wait3A_266] : memref<512x50xi32, #tpu.memory_space<vmem>> -> memref<1x50xi32, #tpu.memory_space<vmem>>
      %dma_wait3A_268 = tpu.memref_squeeze %dma_wait3A_267 : memref<1x50xi32, #tpu.memory_space<vmem>> -> memref<50xi32, #tpu.memory_space<vmem>>
      %dma_wait3A_269 = arith.constant 0 : i32
      %dma_wait3A_270 = arith.constant 0 : i32
      %dma_wait3A_271 = tpu.memref_slice %arg3[%dma_wait3A_269, %dma_wait3A_270] : memref<1000000x32xf32, #tpu.memory_space<hbm>> -> memref<1000000x32xf32, #tpu.memory_space<hbm>>
      tpu.wait_indirect_dma semaphore(%arg7 : memref<!tpu.dma_semaphore, #tpu.memory_space<semaphore_mem>>) src(%dma_wait3A_271 : memref<1000000x32xf32, #tpu.memory_space<hbm>>) dst(%dma_wait3A_265 : memref<50x32xf32, #tpu.memory_space<vmem>>)
      %dma_wait3A_272 = arith.constant 5 : i32
      %dma_wait3A_273 = arith.constant 0 : i32
      %dma_wait3A_274 = arith.constant 0 : i32
      %dma_wait3A_275 = tpu.memref_slice %arg6[%dma_wait3A_272, %dma_wait3A_273, %dma_wait3A_274] : memref<16x50x32xf32, #tpu.memory_space<vmem>> -> memref<1x50x32xf32, #tpu.memory_space<vmem>>
      %dma_wait3A_276 = tpu.memref_squeeze %dma_wait3A_275 : memref<1x50x32xf32, #tpu.memory_space<vmem>> -> memref<50x32xf32, #tpu.memory_space<vmem>>
      %dma_wait3A_277 = arith.constant 0 : i32
      %dma_wait3A_278 = tpu.memref_slice %arg5[%add3A_76, %dma_wait3A_277] : memref<512x50xi32, #tpu.memory_space<vmem>> -> memref<1x50xi32, #tpu.memory_space<vmem>>
      %dma_wait3A_279 = tpu.memref_squeeze %dma_wait3A_278 : memref<1x50xi32, #tpu.memory_space<vmem>> -> memref<50xi32, #tpu.memory_space<vmem>>
      %dma_wait3A_280 = arith.constant 0 : i32
      %dma_wait3A_281 = arith.constant 0 : i32
      %dma_wait3A_282 = tpu.memref_slice %arg3[%dma_wait3A_280, %dma_wait3A_281] : memref<1000000x32xf32, #tpu.memory_space<hbm>> -> memref<1000000x32xf32, #tpu.memory_space<hbm>>
      tpu.wait_indirect_dma semaphore(%arg7 : memref<!tpu.dma_semaphore, #tpu.memory_space<semaphore_mem>>) src(%dma_wait3A_282 : memref<1000000x32xf32, #tpu.memory_space<hbm>>) dst(%dma_wait3A_276 : memref<50x32xf32, #tpu.memory_space<vmem>>)
      %dma_wait3A_283 = arith.constant 6 : i32
      %dma_wait3A_284 = arith.constant 0 : i32
      %dma_wait3A_285 = arith.constant 0 : i32
      %dma_wait3A_286 = tpu.memref_slice %arg6[%dma_wait3A_283, %dma_wait3A_284, %dma_wait3A_285] : memref<16x50x32xf32, #tpu.memory_space<vmem>> -> memref<1x50x32xf32, #tpu.memory_space<vmem>>
      %dma_wait3A_287 = tpu.memref_squeeze %dma_wait3A_286 : memref<1x50x32xf32, #tpu.memory_space<vmem>> -> memref<50x32xf32, #tpu.memory_space<vmem>>
      %dma_wait3A_288 = arith.constant 0 : i32
      %dma_wait3A_289 = tpu.memref_slice %arg5[%add3A_89, %dma_wait3A_288] : memref<512x50xi32, #tpu.memory_space<vmem>> -> memref<1x50xi32, #tpu.memory_space<vmem>>
      %dma_wait3A_290 = tpu.memref_squeeze %dma_wait3A_289 : memref<1x50xi32, #tpu.memory_space<vmem>> -> memref<50xi32, #tpu.memory_space<vmem>>
      %dma_wait3A_291 = arith.constant 0 : i32
      %dma_wait3A_292 = arith.constant 0 : i32
      %dma_wait3A_293 = tpu.memref_slice %arg3[%dma_wait3A_291, %dma_wait3A_292] : memref<1000000x32xf32, #tpu.memory_space<hbm>> -> memref<1000000x32xf32, #tpu.memory_space<hbm>>
      tpu.wait_indirect_dma semaphore(%arg7 : memref<!tpu.dma_semaphore, #tpu.memory_space<semaphore_mem>>) src(%dma_wait3A_293 : memref<1000000x32xf32, #tpu.memory_space<hbm>>) dst(%dma_wait3A_287 : memref<50x32xf32, #tpu.memory_space<vmem>>)
      %dma_wait3A_294 = arith.constant 7 : i32
      %dma_wait3A_295 = arith.constant 0 : i32
      %dma_wait3A_296 = arith.constant 0 : i32
      %dma_wait3A_297 = tpu.memref_slice %arg6[%dma_wait3A_294, %dma_wait3A_295, %dma_wait3A_296] : memref<16x50x32xf32, #tpu.memory_space<vmem>> -> memref<1x50x32xf32, #tpu.memory_space<vmem>>
      %dma_wait3A_298 = tpu.memref_squeeze %dma_wait3A_297 : memref<1x50x32xf32, #tpu.memory_space<vmem>> -> memref<50x32xf32, #tpu.memory_space<vmem>>
      %dma_wait3A_299 = arith.constant 0 : i32
      %dma_wait3A_300 = tpu.memref_slice %arg5[%add3A_102, %dma_wait3A_299] : memref<512x50xi32, #tpu.memory_space<vmem>> -> memref<1x50xi32, #tpu.memory_space<vmem>>
      %dma_wait3A_301 = tpu.memref_squeeze %dma_wait3A_300 : memref<1x50xi32, #tpu.memory_space<vmem>> -> memref<50xi32, #tpu.memory_space<vmem>>
      %dma_wait3A_302 = arith.constant 0 : i32
      %dma_wait3A_303 = arith.constant 0 : i32
      %dma_wait3A_304 = tpu.memref_slice %arg3[%dma_wait3A_302, %dma_wait3A_303] : memref<1000000x32xf32, #tpu.memory_space<hbm>> -> memref<1000000x32xf32, #tpu.memory_space<hbm>>
      tpu.wait_indirect_dma semaphore(%arg7 : memref<!tpu.dma_semaphore, #tpu.memory_space<semaphore_mem>>) src(%dma_wait3A_304 : memref<1000000x32xf32, #tpu.memory_space<hbm>>) dst(%dma_wait3A_298 : memref<50x32xf32, #tpu.memory_space<vmem>>)
      %dma_wait3A_305 = arith.constant 8 : i32
      %dma_wait3A_306 = arith.constant 0 : i32
      %dma_wait3A_307 = arith.constant 0 : i32
      %dma_wait3A_308 = tpu.memref_slice %arg6[%dma_wait3A_305, %dma_wait3A_306, %dma_wait3A_307] : memref<16x50x32xf32, #tpu.memory_space<vmem>> -> memref<1x50x32xf32, #tpu.memory_space<vmem>>
      %dma_wait3A_309 = tpu.memref_squeeze %dma_wait3A_308 : memref<1x50x32xf32, #tpu.memory_space<vmem>> -> memref<50x32xf32, #tpu.memory_space<vmem>>
      %dma_wait3A_310 = arith.constant 0 : i32
      %dma_wait3A_311 = tpu.memref_slice %arg5[%add3A_115, %dma_wait3A_310] : memref<512x50xi32, #tpu.memory_space<vmem>> -> memref<1x50xi32, #tpu.memory_space<vmem>>
      %dma_wait3A_312 = tpu.memref_squeeze %dma_wait3A_311 : memref<1x50xi32, #tpu.memory_space<vmem>> -> memref<50xi32, #tpu.memory_space<vmem>>
      %dma_wait3A_313 = arith.constant 0 : i32
      %dma_wait3A_314 = arith.constant 0 : i32
      %dma_wait3A_315 = tpu.memref_slice %arg3[%dma_wait3A_313, %dma_wait3A_314] : memref<1000000x32xf32, #tpu.memory_space<hbm>> -> memref<1000000x32xf32, #tpu.memory_space<hbm>>
      tpu.wait_indirect_dma semaphore(%arg7 : memref<!tpu.dma_semaphore, #tpu.memory_space<semaphore_mem>>) src(%dma_wait3A_315 : memref<1000000x32xf32, #tpu.memory_space<hbm>>) dst(%dma_wait3A_309 : memref<50x32xf32, #tpu.memory_space<vmem>>)
      %dma_wait3A_316 = arith.constant 9 : i32
      %dma_wait3A_317 = arith.constant 0 : i32
      %dma_wait3A_318 = arith.constant 0 : i32
      %dma_wait3A_319 = tpu.memref_slice %arg6[%dma_wait3A_316, %dma_wait3A_317, %dma_wait3A_318] : memref<16x50x32xf32, #tpu.memory_space<vmem>> -> memref<1x50x32xf32, #tpu.memory_space<vmem>>
      %dma_wait3A_320 = tpu.memref_squeeze %dma_wait3A_319 : memref<1x50x32xf32, #tpu.memory_space<vmem>> -> memref<50x32xf32, #tpu.memory_space<vmem>>
      %dma_wait3A_321 = arith.constant 0 : i32
      %dma_wait3A_322 = tpu.memref_slice %arg5[%add3A_128, %dma_wait3A_321] : memref<512x50xi32, #tpu.memory_space<vmem>> -> memref<1x50xi32, #tpu.memory_space<vmem>>
      %dma_wait3A_323 = tpu.memref_squeeze %dma_wait3A_322 : memref<1x50xi32, #tpu.memory_space<vmem>> -> memref<50xi32, #tpu.memory_space<vmem>>
      %dma_wait3A_324 = arith.constant 0 : i32
      %dma_wait3A_325 = arith.constant 0 : i32
      %dma_wait3A_326 = tpu.memref_slice %arg3[%dma_wait3A_324, %dma_wait3A_325] : memref<1000000x32xf32, #tpu.memory_space<hbm>> -> memref<1000000x32xf32, #tpu.memory_space<hbm>>
      tpu.wait_indirect_dma semaphore(%arg7 : memref<!tpu.dma_semaphore, #tpu.memory_space<semaphore_mem>>) src(%dma_wait3A_326 : memref<1000000x32xf32, #tpu.memory_space<hbm>>) dst(%dma_wait3A_320 : memref<50x32xf32, #tpu.memory_space<vmem>>)
      %dma_wait3A_327 = arith.constant 10 : i32
      %dma_wait3A_328 = arith.constant 0 : i32
      %dma_wait3A_329 = arith.constant 0 : i32
      %dma_wait3A_330 = tpu.memref_slice %arg6[%dma_wait3A_327, %dma_wait3A_328, %dma_wait3A_329] : memref<16x50x32xf32, #tpu.memory_space<vmem>> -> memref<1x50x32xf32, #tpu.memory_space<vmem>>
      %dma_wait3A_331 = tpu.memref_squeeze %dma_wait3A_330 : memref<1x50x32xf32, #tpu.memory_space<vmem>> -> memref<50x32xf32, #tpu.memory_space<vmem>>
      %dma_wait3A_332 = arith.constant 0 : i32
      %dma_wait3A_333 = tpu.memref_slice %arg5[%add3A_141, %dma_wait3A_332] : memref<512x50xi32, #tpu.memory_space<vmem>> -> memref<1x50xi32, #tpu.memory_space<vmem>>
      %dma_wait3A_334 = tpu.memref_squeeze %dma_wait3A_333 : memref<1x50xi32, #tpu.memory_space<vmem>> -> memref<50xi32, #tpu.memory_space<vmem>>
      %dma_wait3A_335 = arith.constant 0 : i32
      %dma_wait3A_336 = arith.constant 0 : i32
      %dma_wait3A_337 = tpu.memref_slice %arg3[%dma_wait3A_335, %dma_wait3A_336] : memref<1000000x32xf32, #tpu.memory_space<hbm>> -> memref<1000000x32xf32, #tpu.memory_space<hbm>>
      tpu.wait_indirect_dma semaphore(%arg7 : memref<!tpu.dma_semaphore, #tpu.memory_space<semaphore_mem>>) src(%dma_wait3A_337 : memref<1000000x32xf32, #tpu.memory_space<hbm>>) dst(%dma_wait3A_331 : memref<50x32xf32, #tpu.memory_space<vmem>>)
      %dma_wait3A_338 = arith.constant 11 : i32
      %dma_wait3A_339 = arith.constant 0 : i32
      %dma_wait3A_340 = arith.constant 0 : i32
      %dma_wait3A_341 = tpu.memref_slice %arg6[%dma_wait3A_338, %dma_wait3A_339, %dma_wait3A_340] : memref<16x50x32xf32, #tpu.memory_space<vmem>> -> memref<1x50x32xf32, #tpu.memory_space<vmem>>
      %dma_wait3A_342 = tpu.memref_squeeze %dma_wait3A_341 : memref<1x50x32xf32, #tpu.memory_space<vmem>> -> memref<50x32xf32, #tpu.memory_space<vmem>>
      %dma_wait3A_343 = arith.constant 0 : i32
      %dma_wait3A_344 = tpu.memref_slice %arg5[%add3A_154, %dma_wait3A_343] : memref<512x50xi32, #tpu.memory_space<vmem>> -> memref<1x50xi32, #tpu.memory_space<vmem>>
      %dma_wait3A_345 = tpu.memref_squeeze %dma_wait3A_344 : memref<1x50xi32, #tpu.memory_space<vmem>> -> memref<50xi32, #tpu.memory_space<vmem>>
      %dma_wait3A_346 = arith.constant 0 : i32
      %dma_wait3A_347 = arith.constant 0 : i32
      %dma_wait3A_348 = tpu.memref_slice %arg3[%dma_wait3A_346, %dma_wait3A_347] : memref<1000000x32xf32, #tpu.memory_space<hbm>> -> memref<1000000x32xf32, #tpu.memory_space<hbm>>
      tpu.wait_indirect_dma semaphore(%arg7 : memref<!tpu.dma_semaphore, #tpu.memory_space<semaphore_mem>>) src(%dma_wait3A_348 : memref<1000000x32xf32, #tpu.memory_space<hbm>>) dst(%dma_wait3A_342 : memref<50x32xf32, #tpu.memory_space<vmem>>)
      %dma_wait3A_349 = arith.constant 12 : i32
      %dma_wait3A_350 = arith.constant 0 : i32
      %dma_wait3A_351 = arith.constant 0 : i32
      %dma_wait3A_352 = tpu.memref_slice %arg6[%dma_wait3A_349, %dma_wait3A_350, %dma_wait3A_351] : memref<16x50x32xf32, #tpu.memory_space<vmem>> -> memref<1x50x32xf32, #tpu.memory_space<vmem>>
      %dma_wait3A_353 = tpu.memref_squeeze %dma_wait3A_352 : memref<1x50x32xf32, #tpu.memory_space<vmem>> -> memref<50x32xf32, #tpu.memory_space<vmem>>
      %dma_wait3A_354 = arith.constant 0 : i32
      %dma_wait3A_355 = tpu.memref_slice %arg5[%add3A_167, %dma_wait3A_354] : memref<512x50xi32, #tpu.memory_space<vmem>> -> memref<1x50xi32, #tpu.memory_space<vmem>>
      %dma_wait3A_356 = tpu.memref_squeeze %dma_wait3A_355 : memref<1x50xi32, #tpu.memory_space<vmem>> -> memref<50xi32, #tpu.memory_space<vmem>>
      %dma_wait3A_357 = arith.constant 0 : i32
      %dma_wait3A_358 = arith.constant 0 : i32
      %dma_wait3A_359 = tpu.memref_slice %arg3[%dma_wait3A_357, %dma_wait3A_358] : memref<1000000x32xf32, #tpu.memory_space<hbm>> -> memref<1000000x32xf32, #tpu.memory_space<hbm>>
      tpu.wait_indirect_dma semaphore(%arg7 : memref<!tpu.dma_semaphore, #tpu.memory_space<semaphore_mem>>) src(%dma_wait3A_359 : memref<1000000x32xf32, #tpu.memory_space<hbm>>) dst(%dma_wait3A_353 : memref<50x32xf32, #tpu.memory_space<vmem>>)
      %dma_wait3A_360 = arith.constant 13 : i32
      %dma_wait3A_361 = arith.constant 0 : i32
      %dma_wait3A_362 = arith.constant 0 : i32
      %dma_wait3A_363 = tpu.memref_slice %arg6[%dma_wait3A_360, %dma_wait3A_361, %dma_wait3A_362] : memref<16x50x32xf32, #tpu.memory_space<vmem>> -> memref<1x50x32xf32, #tpu.memory_space<vmem>>
      %dma_wait3A_364 = tpu.memref_squeeze %dma_wait3A_363 : memref<1x50x32xf32, #tpu.memory_space<vmem>> -> memref<50x32xf32, #tpu.memory_space<vmem>>
      %dma_wait3A_365 = arith.constant 0 : i32
      %dma_wait3A_366 = tpu.memref_slice %arg5[%add3A_180, %dma_wait3A_365] : memref<512x50xi32, #tpu.memory_space<vmem>> -> memref<1x50xi32, #tpu.memory_space<vmem>>
      %dma_wait3A_367 = tpu.memref_squeeze %dma_wait3A_366 : memref<1x50xi32, #tpu.memory_space<vmem>> -> memref<50xi32, #tpu.memory_space<vmem>>
      %dma_wait3A_368 = arith.constant 0 : i32
      %dma_wait3A_369 = arith.constant 0 : i32
      %dma_wait3A_370 = tpu.memref_slice %arg3[%dma_wait3A_368, %dma_wait3A_369] : memref<1000000x32xf32, #tpu.memory_space<hbm>> -> memref<1000000x32xf32, #tpu.memory_space<hbm>>
      tpu.wait_indirect_dma semaphore(%arg7 : memref<!tpu.dma_semaphore, #tpu.memory_space<semaphore_mem>>) src(%dma_wait3A_370 : memref<1000000x32xf32, #tpu.memory_space<hbm>>) dst(%dma_wait3A_364 : memref<50x32xf32, #tpu.memory_space<vmem>>)
      %dma_wait3A_371 = arith.constant 14 : i32
      %dma_wait3A_372 = arith.constant 0 : i32
      %dma_wait3A_373 = arith.constant 0 : i32
      %dma_wait3A_374 = tpu.memref_slice %arg6[%dma_wait3A_371, %dma_wait3A_372, %dma_wait3A_373] : memref<16x50x32xf32, #tpu.memory_space<vmem>> -> memref<1x50x32xf32, #tpu.memory_space<vmem>>
      %dma_wait3A_375 = tpu.memref_squeeze %dma_wait3A_374 : memref<1x50x32xf32, #tpu.memory_space<vmem>> -> memref<50x32xf32, #tpu.memory_space<vmem>>
      %dma_wait3A_376 = arith.constant 0 : i32
      %dma_wait3A_377 = tpu.memref_slice %arg5[%add3A_193, %dma_wait3A_376] : memref<512x50xi32, #tpu.memory_space<vmem>> -> memref<1x50xi32, #tpu.memory_space<vmem>>
      %dma_wait3A_378 = tpu.memref_squeeze %dma_wait3A_377 : memref<1x50xi32, #tpu.memory_space<vmem>> -> memref<50xi32, #tpu.memory_space<vmem>>
      %dma_wait3A_379 = arith.constant 0 : i32
      %dma_wait3A_380 = arith.constant 0 : i32
      %dma_wait3A_381 = tpu.memref_slice %arg3[%dma_wait3A_379, %dma_wait3A_380] : memref<1000000x32xf32, #tpu.memory_space<hbm>> -> memref<1000000x32xf32, #tpu.memory_space<hbm>>
      tpu.wait_indirect_dma semaphore(%arg7 : memref<!tpu.dma_semaphore, #tpu.memory_space<semaphore_mem>>) src(%dma_wait3A_381 : memref<1000000x32xf32, #tpu.memory_space<hbm>>) dst(%dma_wait3A_375 : memref<50x32xf32, #tpu.memory_space<vmem>>)
      %dma_wait3A_382 = arith.constant 15 : i32
      %dma_wait3A_383 = arith.constant 0 : i32
      %dma_wait3A_384 = arith.constant 0 : i32
      %dma_wait3A_385 = tpu.memref_slice %arg6[%dma_wait3A_382, %dma_wait3A_383, %dma_wait3A_384] : memref<16x50x32xf32, #tpu.memory_space<vmem>> -> memref<1x50x32xf32, #tpu.memory_space<vmem>>
      %dma_wait3A_386 = tpu.memref_squeeze %dma_wait3A_385 : memref<1x50x32xf32, #tpu.memory_space<vmem>> -> memref<50x32xf32, #tpu.memory_space<vmem>>
      %dma_wait3A_387 = arith.constant 0 : i32
      %dma_wait3A_388 = tpu.memref_slice %arg5[%add3A_206, %dma_wait3A_387] : memref<512x50xi32, #tpu.memory_space<vmem>> -> memref<1x50xi32, #tpu.memory_space<vmem>>
      %dma_wait3A_389 = tpu.memref_squeeze %dma_wait3A_388 : memref<1x50xi32, #tpu.memory_space<vmem>> -> memref<50xi32, #tpu.memory_space<vmem>>
      %dma_wait3A_390 = arith.constant 0 : i32
      %dma_wait3A_391 = arith.constant 0 : i32
      %dma_wait3A_392 = tpu.memref_slice %arg3[%dma_wait3A_390, %dma_wait3A_391] : memref<1000000x32xf32, #tpu.memory_space<hbm>> -> memref<1000000x32xf32, #tpu.memory_space<hbm>>
      tpu.wait_indirect_dma semaphore(%arg7 : memref<!tpu.dma_semaphore, #tpu.memory_space<semaphore_mem>>) src(%dma_wait3A_392 : memref<1000000x32xf32, #tpu.memory_space<hbm>>) dst(%dma_wait3A_386 : memref<50x32xf32, #tpu.memory_space<vmem>>)
      %add3A_393 = arith.addi %mul3A_2, %mul3A_10 : i32
      %add3A_394 = arith.constant 0 : i32
      %add3A_395 = arith.addi %add3A_393, %add3A_394 : i32
      %dma_start3A_396 = arith.constant 0 : i32
      %dma_start3A_397 = arith.constant 0 : i32
      %dma_start3A_398 = arith.constant 0 : i32
      %dma_start3A_399 = tpu.memref_slice %arg6[%dma_start3A_396, %dma_start3A_397, %dma_start3A_398] : memref<16x50x32xf32, #tpu.memory_space<vmem>> -> memref<1x50x32xf32, #tpu.memory_space<vmem>>
      %dma_start3A_400 = tpu.memref_squeeze %dma_start3A_399 : memref<1x50x32xf32, #tpu.memory_space<vmem>> -> memref<50x32xf32, #tpu.memory_space<vmem>>
      %dma_start3A_401 = arith.constant 0 : i32
      %dma_start3A_402 = arith.constant 0 : i32
      %dma_start3A_403 = tpu.memref_slice %arg4[%add3A_395, %dma_start3A_401, %dma_start3A_402] : memref<16384x50x32xf32, #tpu.memory_space<hbm>> -> memref<1x50x32xf32, #tpu.memory_space<hbm>>
      %dma_start3A_404 = tpu.memref_squeeze %dma_start3A_403 : memref<1x50x32xf32, #tpu.memory_space<hbm>> -> memref<50x32xf32, #tpu.memory_space<hbm>>
      %dma_start3A_405 = arith.constant 0 : i32
      %dma_start3A_406 = arith.constant 0 : i32
      %dma_start3A_407 = tpu.memref_slice %arg4[%add3A_395, %dma_start3A_405, %dma_start3A_406] : memref<16384x50x32xf32, #tpu.memory_space<hbm>> -> memref<1x50x32xf32, #tpu.memory_space<hbm>>
      %dma_start3A_408 = tpu.memref_squeeze %dma_start3A_407 : memref<1x50x32xf32, #tpu.memory_space<hbm>> -> memref<50x32xf32, #tpu.memory_space<hbm>>
      %dma_start3A_409 = arith.constant 0 : i32
      %dma_start3A_410 = arith.constant 0 : i32
      %dma_start3A_411 = tpu.memref_slice %arg6[%dma_start3A_396, %dma_start3A_409, %dma_start3A_410] : memref<16x50x32xf32, #tpu.memory_space<vmem>> -> memref<1x50x32xf32, #tpu.memory_space<vmem>>
      %dma_start3A_412 = tpu.memref_squeeze %dma_start3A_411 : memref<1x50x32xf32, #tpu.memory_space<vmem>> -> memref<50x32xf32, #tpu.memory_space<vmem>>
      tpu.enqueue_dma source(%dma_start3A_412 : memref<50x32xf32, #tpu.memory_space<vmem>>) target(%dma_start3A_408 : memref<50x32xf32, #tpu.memory_space<hbm>>) target_semaphore(%arg8 : memref<!tpu.dma_semaphore, #tpu.memory_space<semaphore_mem>>)
      %add3A_413 = arith.addi %mul3A_2, %mul3A_10 : i32
      %add3A_414 = arith.constant 1 : i32
      %add3A_415 = arith.addi %add3A_413, %add3A_414 : i32
      %dma_start3A_416 = arith.constant 1 : i32
      %dma_start3A_417 = arith.constant 0 : i32
      %dma_start3A_418 = arith.constant 0 : i32
      %dma_start3A_419 = tpu.memref_slice %arg6[%dma_start3A_416, %dma_start3A_417, %dma_start3A_418] : memref<16x50x32xf32, #tpu.memory_space<vmem>> -> memref<1x50x32xf32, #tpu.memory_space<vmem>>
      %dma_start3A_420 = tpu.memref_squeeze %dma_start3A_419 : memref<1x50x32xf32, #tpu.memory_space<vmem>> -> memref<50x32xf32, #tpu.memory_space<vmem>>
      %dma_start3A_421 = arith.constant 0 : i32
      %dma_start3A_422 = arith.constant 0 : i32
      %dma_start3A_423 = tpu.memref_slice %arg4[%add3A_415, %dma_start3A_421, %dma_start3A_422] : memref<16384x50x32xf32, #tpu.memory_space<hbm>> -> memref<1x50x32xf32, #tpu.memory_space<hbm>>
      %dma_start3A_424 = tpu.memref_squeeze %dma_start3A_423 : memref<1x50x32xf32, #tpu.memory_space<hbm>> -> memref<50x32xf32, #tpu.memory_space<hbm>>
      %dma_start3A_425 = arith.constant 0 : i32
      %dma_start3A_426 = arith.constant 0 : i32
      %dma_start3A_427 = tpu.memref_slice %arg4[%add3A_415, %dma_start3A_425, %dma_start3A_426] : memref<16384x50x32xf32, #tpu.memory_space<hbm>> -> memref<1x50x32xf32, #tpu.memory_space<hbm>>
      %dma_start3A_428 = tpu.memref_squeeze %dma_start3A_427 : memref<1x50x32xf32, #tpu.memory_space<hbm>> -> memref<50x32xf32, #tpu.memory_space<hbm>>
      %dma_start3A_429 = arith.constant 0 : i32
      %dma_start3A_430 = arith.constant 0 : i32
      %dma_start3A_431 = tpu.memref_slice %arg6[%dma_start3A_416, %dma_start3A_429, %dma_start3A_430] : memref<16x50x32xf32, #tpu.memory_space<vmem>> -> memref<1x50x32xf32, #tpu.memory_space<vmem>>
      %dma_start3A_432 = tpu.memref_squeeze %dma_start3A_431 : memref<1x50x32xf32, #tpu.memory_space<vmem>> -> memref<50x32xf32, #tpu.memory_space<vmem>>
      tpu.enqueue_dma source(%dma_start3A_432 : memref<50x32xf32, #tpu.memory_space<vmem>>) target(%dma_start3A_428 : memref<50x32xf32, #tpu.memory_space<hbm>>) target_semaphore(%arg8 : memref<!tpu.dma_semaphore, #tpu.memory_space<semaphore_mem>>)
      %add3A_433 = arith.addi %mul3A_2, %mul3A_10 : i32
      %add3A_434 = arith.constant 2 : i32
      %add3A_435 = arith.addi %add3A_433, %add3A_434 : i32
      %dma_start3A_436 = arith.constant 2 : i32
      %dma_start3A_437 = arith.constant 0 : i32
      %dma_start3A_438 = arith.constant 0 : i32
      %dma_start3A_439 = tpu.memref_slice %arg6[%dma_start3A_436, %dma_start3A_437, %dma_start3A_438] : memref<16x50x32xf32, #tpu.memory_space<vmem>> -> memref<1x50x32xf32, #tpu.memory_space<vmem>>
      %dma_start3A_440 = tpu.memref_squeeze %dma_start3A_439 : memref<1x50x32xf32, #tpu.memory_space<vmem>> -> memref<50x32xf32, #tpu.memory_space<vmem>>
      %dma_start3A_441 = arith.constant 0 : i32
      %dma_start3A_442 = arith.constant 0 : i32
      %dma_start3A_443 = tpu.memref_slice %arg4[%add3A_435, %dma_start3A_441, %dma_start3A_442] : memref<16384x50x32xf32, #tpu.memory_space<hbm>> -> memref<1x50x32xf32, #tpu.memory_space<hbm>>
      %dma_start3A_444 = tpu.memref_squeeze %dma_start3A_443 : memref<1x50x32xf32, #tpu.memory_space<hbm>> -> memref<50x32xf32, #tpu.memory_space<hbm>>
      %dma_start3A_445 = arith.constant 0 : i32
      %dma_start3A_446 = arith.constant 0 : i32
      %dma_start3A_447 = tpu.memref_slice %arg4[%add3A_435, %dma_start3A_445, %dma_start3A_446] : memref<16384x50x32xf32, #tpu.memory_space<hbm>> -> memref<1x50x32xf32, #tpu.memory_space<hbm>>
      %dma_start3A_448 = tpu.memref_squeeze %dma_start3A_447 : memref<1x50x32xf32, #tpu.memory_space<hbm>> -> memref<50x32xf32, #tpu.memory_space<hbm>>
      %dma_start3A_449 = arith.constant 0 : i32
      %dma_start3A_450 = arith.constant 0 : i32
      %dma_start3A_451 = tpu.memref_slice %arg6[%dma_start3A_436, %dma_start3A_449, %dma_start3A_450] : memref<16x50x32xf32, #tpu.memory_space<vmem>> -> memref<1x50x32xf32, #tpu.memory_space<vmem>>
      %dma_start3A_452 = tpu.memref_squeeze %dma_start3A_451 : memref<1x50x32xf32, #tpu.memory_space<vmem>> -> memref<50x32xf32, #tpu.memory_space<vmem>>
      tpu.enqueue_dma source(%dma_start3A_452 : memref<50x32xf32, #tpu.memory_space<vmem>>) target(%dma_start3A_448 : memref<50x32xf32, #tpu.memory_space<hbm>>) target_semaphore(%arg8 : memref<!tpu.dma_semaphore, #tpu.memory_space<semaphore_mem>>)
      %add3A_453 = arith.addi %mul3A_2, %mul3A_10 : i32
      %add3A_454 = arith.constant 3 : i32
      %add3A_455 = arith.addi %add3A_453, %add3A_454 : i32
      %dma_start3A_456 = arith.constant 3 : i32
      %dma_start3A_457 = arith.constant 0 : i32
      %dma_start3A_458 = arith.constant 0 : i32
      %dma_start3A_459 = tpu.memref_slice %arg6[%dma_start3A_456, %dma_start3A_457, %dma_start3A_458] : memref<16x50x32xf32, #tpu.memory_space<vmem>> -> memref<1x50x32xf32, #tpu.memory_space<vmem>>
      %dma_start3A_460 = tpu.memref_squeeze %dma_start3A_459 : memref<1x50x32xf32, #tpu.memory_space<vmem>> -> memref<50x32xf32, #tpu.memory_space<vmem>>
      %dma_start3A_461 = arith.constant 0 : i32
      %dma_start3A_462 = arith.constant 0 : i32
      %dma_start3A_463 = tpu.memref_slice %arg4[%add3A_455, %dma_start3A_461, %dma_start3A_462] : memref<16384x50x32xf32, #tpu.memory_space<hbm>> -> memref<1x50x32xf32, #tpu.memory_space<hbm>>
      %dma_start3A_464 = tpu.memref_squeeze %dma_start3A_463 : memref<1x50x32xf32, #tpu.memory_space<hbm>> -> memref<50x32xf32, #tpu.memory_space<hbm>>
      %dma_start3A_465 = arith.constant 0 : i32
      %dma_start3A_466 = arith.constant 0 : i32
      %dma_start3A_467 = tpu.memref_slice %arg4[%add3A_455, %dma_start3A_465, %dma_start3A_466] : memref<16384x50x32xf32, #tpu.memory_space<hbm>> -> memref<1x50x32xf32, #tpu.memory_space<hbm>>
      %dma_start3A_468 = tpu.memref_squeeze %dma_start3A_467 : memref<1x50x32xf32, #tpu.memory_space<hbm>> -> memref<50x32xf32, #tpu.memory_space<hbm>>
      %dma_start3A_469 = arith.constant 0 : i32
      %dma_start3A_470 = arith.constant 0 : i32
      %dma_start3A_471 = tpu.memref_slice %arg6[%dma_start3A_456, %dma_start3A_469, %dma_start3A_470] : memref<16x50x32xf32, #tpu.memory_space<vmem>> -> memref<1x50x32xf32, #tpu.memory_space<vmem>>
      %dma_start3A_472 = tpu.memref_squeeze %dma_start3A_471 : memref<1x50x32xf32, #tpu.memory_space<vmem>> -> memref<50x32xf32, #tpu.memory_space<vmem>>
      tpu.enqueue_dma source(%dma_start3A_472 : memref<50x32xf32, #tpu.memory_space<vmem>>) target(%dma_start3A_468 : memref<50x32xf32, #tpu.memory_space<hbm>>) target_semaphore(%arg8 : memref<!tpu.dma_semaphore, #tpu.memory_space<semaphore_mem>>)
      %add3A_473 = arith.addi %mul3A_2, %mul3A_10 : i32
      %add3A_474 = arith.constant 4 : i32
      %add3A_475 = arith.addi %add3A_473, %add3A_474 : i32
      %dma_start3A_476 = arith.constant 4 : i32
      %dma_start3A_477 = arith.constant 0 : i32
      %dma_start3A_478 = arith.constant 0 : i32
      %dma_start3A_479 = tpu.memref_slice %arg6[%dma_start3A_476, %dma_start3A_477, %dma_start3A_478] : memref<16x50x32xf32, #tpu.memory_space<vmem>> -> memref<1x50x32xf32, #tpu.memory_space<vmem>>
      %dma_start3A_480 = tpu.memref_squeeze %dma_start3A_479 : memref<1x50x32xf32, #tpu.memory_space<vmem>> -> memref<50x32xf32, #tpu.memory_space<vmem>>
      %dma_start3A_481 = arith.constant 0 : i32
      %dma_start3A_482 = arith.constant 0 : i32
      %dma_start3A_483 = tpu.memref_slice %arg4[%add3A_475, %dma_start3A_481, %dma_start3A_482] : memref<16384x50x32xf32, #tpu.memory_space<hbm>> -> memref<1x50x32xf32, #tpu.memory_space<hbm>>
      %dma_start3A_484 = tpu.memref_squeeze %dma_start3A_483 : memref<1x50x32xf32, #tpu.memory_space<hbm>> -> memref<50x32xf32, #tpu.memory_space<hbm>>
      %dma_start3A_485 = arith.constant 0 : i32
      %dma_start3A_486 = arith.constant 0 : i32
      %dma_start3A_487 = tpu.memref_slice %arg4[%add3A_475, %dma_start3A_485, %dma_start3A_486] : memref<16384x50x32xf32, #tpu.memory_space<hbm>> -> memref<1x50x32xf32, #tpu.memory_space<hbm>>
      %dma_start3A_488 = tpu.memref_squeeze %dma_start3A_487 : memref<1x50x32xf32, #tpu.memory_space<hbm>> -> memref<50x32xf32, #tpu.memory_space<hbm>>
      %dma_start3A_489 = arith.constant 0 : i32
      %dma_start3A_490 = arith.constant 0 : i32
      %dma_start3A_491 = tpu.memref_slice %arg6[%dma_start3A_476, %dma_start3A_489, %dma_start3A_490] : memref<16x50x32xf32, #tpu.memory_space<vmem>> -> memref<1x50x32xf32, #tpu.memory_space<vmem>>
      %dma_start3A_492 = tpu.memref_squeeze %dma_start3A_491 : memref<1x50x32xf32, #tpu.memory_space<vmem>> -> memref<50x32xf32, #tpu.memory_space<vmem>>
      tpu.enqueue_dma source(%dma_start3A_492 : memref<50x32xf32, #tpu.memory_space<vmem>>) target(%dma_start3A_488 : memref<50x32xf32, #tpu.memory_space<hbm>>) target_semaphore(%arg8 : memref<!tpu.dma_semaphore, #tpu.memory_space<semaphore_mem>>)
      %add3A_493 = arith.addi %mul3A_2, %mul3A_10 : i32
      %add3A_494 = arith.constant 5 : i32
      %add3A_495 = arith.addi %add3A_493, %add3A_494 : i32
      %dma_start3A_496 = arith.constant 5 : i32
      %dma_start3A_497 = arith.constant 0 : i32
      %dma_start3A_498 = arith.constant 0 : i32
      %dma_start3A_499 = tpu.memref_slice %arg6[%dma_start3A_496, %dma_start3A_497, %dma_start3A_498] : memref<16x50x32xf32, #tpu.memory_space<vmem>> -> memref<1x50x32xf32, #tpu.memory_space<vmem>>
      %dma_start3A_500 = tpu.memref_squeeze %dma_start3A_499 : memref<1x50x32xf32, #tpu.memory_space<vmem>> -> memref<50x32xf32, #tpu.memory_space<vmem>>
      %dma_start3A_501 = arith.constant 0 : i32
      %dma_start3A_502 = arith.constant 0 : i32
      %dma_start3A_503 = tpu.memref_slice %arg4[%add3A_495, %dma_start3A_501, %dma_start3A_502] : memref<16384x50x32xf32, #tpu.memory_space<hbm>> -> memref<1x50x32xf32, #tpu.memory_space<hbm>>
      %dma_start3A_504 = tpu.memref_squeeze %dma_start3A_503 : memref<1x50x32xf32, #tpu.memory_space<hbm>> -> memref<50x32xf32, #tpu.memory_space<hbm>>
      %dma_start3A_505 = arith.constant 0 : i32
      %dma_start3A_506 = arith.constant 0 : i32
      %dma_start3A_507 = tpu.memref_slice %arg4[%add3A_495, %dma_start3A_505, %dma_start3A_506] : memref<16384x50x32xf32, #tpu.memory_space<hbm>> -> memref<1x50x32xf32, #tpu.memory_space<hbm>>
      %dma_start3A_508 = tpu.memref_squeeze %dma_start3A_507 : memref<1x50x32xf32, #tpu.memory_space<hbm>> -> memref<50x32xf32, #tpu.memory_space<hbm>>
      %dma_start3A_509 = arith.constant 0 : i32
      %dma_start3A_510 = arith.constant 0 : i32
      %dma_start3A_511 = tpu.memref_slice %arg6[%dma_start3A_496, %dma_start3A_509, %dma_start3A_510] : memref<16x50x32xf32, #tpu.memory_space<vmem>> -> memref<1x50x32xf32, #tpu.memory_space<vmem>>
      %dma_start3A_512 = tpu.memref_squeeze %dma_start3A_511 : memref<1x50x32xf32, #tpu.memory_space<vmem>> -> memref<50x32xf32, #tpu.memory_space<vmem>>
      tpu.enqueue_dma source(%dma_start3A_512 : memref<50x32xf32, #tpu.memory_space<vmem>>) target(%dma_start3A_508 : memref<50x32xf32, #tpu.memory_space<hbm>>) target_semaphore(%arg8 : memref<!tpu.dma_semaphore, #tpu.memory_space<semaphore_mem>>)
      %add3A_513 = arith.addi %mul3A_2, %mul3A_10 : i32
      %add3A_514 = arith.constant 6 : i32
      %add3A_515 = arith.addi %add3A_513, %add3A_514 : i32
      %dma_start3A_516 = arith.constant 6 : i32
      %dma_start3A_517 = arith.constant 0 : i32
      %dma_start3A_518 = arith.constant 0 : i32
      %dma_start3A_519 = tpu.memref_slice %arg6[%dma_start3A_516, %dma_start3A_517, %dma_start3A_518] : memref<16x50x32xf32, #tpu.memory_space<vmem>> -> memref<1x50x32xf32, #tpu.memory_space<vmem>>
      %dma_start3A_520 = tpu.memref_squeeze %dma_start3A_519 : memref<1x50x32xf32, #tpu.memory_space<vmem>> -> memref<50x32xf32, #tpu.memory_space<vmem>>
      %dma_start3A_521 = arith.constant 0 : i32
      %dma_start3A_522 = arith.constant 0 : i32
      %dma_start3A_523 = tpu.memref_slice %arg4[%add3A_515, %dma_start3A_521, %dma_start3A_522] : memref<16384x50x32xf32, #tpu.memory_space<hbm>> -> memref<1x50x32xf32, #tpu.memory_space<hbm>>
      %dma_start3A_524 = tpu.memref_squeeze %dma_start3A_523 : memref<1x50x32xf32, #tpu.memory_space<hbm>> -> memref<50x32xf32, #tpu.memory_space<hbm>>
      %dma_start3A_525 = arith.constant 0 : i32
      %dma_start3A_526 = arith.constant 0 : i32
      %dma_start3A_527 = tpu.memref_slice %arg4[%add3A_515, %dma_start3A_525, %dma_start3A_526] : memref<16384x50x32xf32, #tpu.memory_space<hbm>> -> memref<1x50x32xf32, #tpu.memory_space<hbm>>
      %dma_start3A_528 = tpu.memref_squeeze %dma_start3A_527 : memref<1x50x32xf32, #tpu.memory_space<hbm>> -> memref<50x32xf32, #tpu.memory_space<hbm>>
      %dma_start3A_529 = arith.constant 0 : i32
      %dma_start3A_530 = arith.constant 0 : i32
      %dma_start3A_531 = tpu.memref_slice %arg6[%dma_start3A_516, %dma_start3A_529, %dma_start3A_530] : memref<16x50x32xf32, #tpu.memory_space<vmem>> -> memref<1x50x32xf32, #tpu.memory_space<vmem>>
      %dma_start3A_532 = tpu.memref_squeeze %dma_start3A_531 : memref<1x50x32xf32, #tpu.memory_space<vmem>> -> memref<50x32xf32, #tpu.memory_space<vmem>>
      tpu.enqueue_dma source(%dma_start3A_532 : memref<50x32xf32, #tpu.memory_space<vmem>>) target(%dma_start3A_528 : memref<50x32xf32, #tpu.memory_space<hbm>>) target_semaphore(%arg8 : memref<!tpu.dma_semaphore, #tpu.memory_space<semaphore_mem>>)
      %add3A_533 = arith.addi %mul3A_2, %mul3A_10 : i32
      %add3A_534 = arith.constant 7 : i32
      %add3A_535 = arith.addi %add3A_533, %add3A_534 : i32
      %dma_start3A_536 = arith.constant 7 : i32
      %dma_start3A_537 = arith.constant 0 : i32
      %dma_start3A_538 = arith.constant 0 : i32
      %dma_start3A_539 = tpu.memref_slice %arg6[%dma_start3A_536, %dma_start3A_537, %dma_start3A_538] : memref<16x50x32xf32, #tpu.memory_space<vmem>> -> memref<1x50x32xf32, #tpu.memory_space<vmem>>
      %dma_start3A_540 = tpu.memref_squeeze %dma_start3A_539 : memref<1x50x32xf32, #tpu.memory_space<vmem>> -> memref<50x32xf32, #tpu.memory_space<vmem>>
      %dma_start3A_541 = arith.constant 0 : i32
      %dma_start3A_542 = arith.constant 0 : i32
      %dma_start3A_543 = tpu.memref_slice %arg4[%add3A_535, %dma_start3A_541, %dma_start3A_542] : memref<16384x50x32xf32, #tpu.memory_space<hbm>> -> memref<1x50x32xf32, #tpu.memory_space<hbm>>
      %dma_start3A_544 = tpu.memref_squeeze %dma_start3A_543 : memref<1x50x32xf32, #tpu.memory_space<hbm>> -> memref<50x32xf32, #tpu.memory_space<hbm>>
      %dma_start3A_545 = arith.constant 0 : i32
      %dma_start3A_546 = arith.constant 0 : i32
      %dma_start3A_547 = tpu.memref_slice %arg4[%add3A_535, %dma_start3A_545, %dma_start3A_546] : memref<16384x50x32xf32, #tpu.memory_space<hbm>> -> memref<1x50x32xf32, #tpu.memory_space<hbm>>
      %dma_start3A_548 = tpu.memref_squeeze %dma_start3A_547 : memref<1x50x32xf32, #tpu.memory_space<hbm>> -> memref<50x32xf32, #tpu.memory_space<hbm>>
      %dma_start3A_549 = arith.constant 0 : i32
      %dma_start3A_550 = arith.constant 0 : i32
      %dma_start3A_551 = tpu.memref_slice %arg6[%dma_start3A_536, %dma_start3A_549, %dma_start3A_550] : memref<16x50x32xf32, #tpu.memory_space<vmem>> -> memref<1x50x32xf32, #tpu.memory_space<vmem>>
      %dma_start3A_552 = tpu.memref_squeeze %dma_start3A_551 : memref<1x50x32xf32, #tpu.memory_space<vmem>> -> memref<50x32xf32, #tpu.memory_space<vmem>>
      tpu.enqueue_dma source(%dma_start3A_552 : memref<50x32xf32, #tpu.memory_space<vmem>>) target(%dma_start3A_548 : memref<50x32xf32, #tpu.memory_space<hbm>>) target_semaphore(%arg8 : memref<!tpu.dma_semaphore, #tpu.memory_space<semaphore_mem>>)
      %add3A_553 = arith.addi %mul3A_2, %mul3A_10 : i32
      %add3A_554 = arith.constant 8 : i32
      %add3A_555 = arith.addi %add3A_553, %add3A_554 : i32
      %dma_start3A_556 = arith.constant 8 : i32
      %dma_start3A_557 = arith.constant 0 : i32
      %dma_start3A_558 = arith.constant 0 : i32
      %dma_start3A_559 = tpu.memref_slice %arg6[%dma_start3A_556, %dma_start3A_557, %dma_start3A_558] : memref<16x50x32xf32, #tpu.memory_space<vmem>> -> memref<1x50x32xf32, #tpu.memory_space<vmem>>
      %dma_start3A_560 = tpu.memref_squeeze %dma_start3A_559 : memref<1x50x32xf32, #tpu.memory_space<vmem>> -> memref<50x32xf32, #tpu.memory_space<vmem>>
      %dma_start3A_561 = arith.constant 0 : i32
      %dma_start3A_562 = arith.constant 0 : i32
      %dma_start3A_563 = tpu.memref_slice %arg4[%add3A_555, %dma_start3A_561, %dma_start3A_562] : memref<16384x50x32xf32, #tpu.memory_space<hbm>> -> memref<1x50x32xf32, #tpu.memory_space<hbm>>
      %dma_start3A_564 = tpu.memref_squeeze %dma_start3A_563 : memref<1x50x32xf32, #tpu.memory_space<hbm>> -> memref<50x32xf32, #tpu.memory_space<hbm>>
      %dma_start3A_565 = arith.constant 0 : i32
      %dma_start3A_566 = arith.constant 0 : i32
      %dma_start3A_567 = tpu.memref_slice %arg4[%add3A_555, %dma_start3A_565, %dma_start3A_566] : memref<16384x50x32xf32, #tpu.memory_space<hbm>> -> memref<1x50x32xf32, #tpu.memory_space<hbm>>
      %dma_start3A_568 = tpu.memref_squeeze %dma_start3A_567 : memref<1x50x32xf32, #tpu.memory_space<hbm>> -> memref<50x32xf32, #tpu.memory_space<hbm>>
      %dma_start3A_569 = arith.constant 0 : i32
      %dma_start3A_570 = arith.constant 0 : i32
      %dma_start3A_571 = tpu.memref_slice %arg6[%dma_start3A_556, %dma_start3A_569, %dma_start3A_570] : memref<16x50x32xf32, #tpu.memory_space<vmem>> -> memref<1x50x32xf32, #tpu.memory_space<vmem>>
      %dma_start3A_572 = tpu.memref_squeeze %dma_start3A_571 : memref<1x50x32xf32, #tpu.memory_space<vmem>> -> memref<50x32xf32, #tpu.memory_space<vmem>>
      tpu.enqueue_dma source(%dma_start3A_572 : memref<50x32xf32, #tpu.memory_space<vmem>>) target(%dma_start3A_568 : memref<50x32xf32, #tpu.memory_space<hbm>>) target_semaphore(%arg8 : memref<!tpu.dma_semaphore, #tpu.memory_space<semaphore_mem>>)
      %add3A_573 = arith.addi %mul3A_2, %mul3A_10 : i32
      %add3A_574 = arith.constant 9 : i32
      %add3A_575 = arith.addi %add3A_573, %add3A_574 : i32
      %dma_start3A_576 = arith.constant 9 : i32
      %dma_start3A_577 = arith.constant 0 : i32
      %dma_start3A_578 = arith.constant 0 : i32
      %dma_start3A_579 = tpu.memref_slice %arg6[%dma_start3A_576, %dma_start3A_577, %dma_start3A_578] : memref<16x50x32xf32, #tpu.memory_space<vmem>> -> memref<1x50x32xf32, #tpu.memory_space<vmem>>
      %dma_start3A_580 = tpu.memref_squeeze %dma_start3A_579 : memref<1x50x32xf32, #tpu.memory_space<vmem>> -> memref<50x32xf32, #tpu.memory_space<vmem>>
      %dma_start3A_581 = arith.constant 0 : i32
      %dma_start3A_582 = arith.constant 0 : i32
      %dma_start3A_583 = tpu.memref_slice %arg4[%add3A_575, %dma_start3A_581, %dma_start3A_582] : memref<16384x50x32xf32, #tpu.memory_space<hbm>> -> memref<1x50x32xf32, #tpu.memory_space<hbm>>
      %dma_start3A_584 = tpu.memref_squeeze %dma_start3A_583 : memref<1x50x32xf32, #tpu.memory_space<hbm>> -> memref<50x32xf32, #tpu.memory_space<hbm>>
      %dma_start3A_585 = arith.constant 0 : i32
      %dma_start3A_586 = arith.constant 0 : i32
      %dma_start3A_587 = tpu.memref_slice %arg4[%add3A_575, %dma_start3A_585, %dma_start3A_586] : memref<16384x50x32xf32, #tpu.memory_space<hbm>> -> memref<1x50x32xf32, #tpu.memory_space<hbm>>
      %dma_start3A_588 = tpu.memref_squeeze %dma_start3A_587 : memref<1x50x32xf32, #tpu.memory_space<hbm>> -> memref<50x32xf32, #tpu.memory_space<hbm>>
      %dma_start3A_589 = arith.constant 0 : i32
      %dma_start3A_590 = arith.constant 0 : i32
      %dma_start3A_591 = tpu.memref_slice %arg6[%dma_start3A_576, %dma_start3A_589, %dma_start3A_590] : memref<16x50x32xf32, #tpu.memory_space<vmem>> -> memref<1x50x32xf32, #tpu.memory_space<vmem>>
      %dma_start3A_592 = tpu.memref_squeeze %dma_start3A_591 : memref<1x50x32xf32, #tpu.memory_space<vmem>> -> memref<50x32xf32, #tpu.memory_space<vmem>>
      tpu.enqueue_dma source(%dma_start3A_592 : memref<50x32xf32, #tpu.memory_space<vmem>>) target(%dma_start3A_588 : memref<50x32xf32, #tpu.memory_space<hbm>>) target_semaphore(%arg8 : memref<!tpu.dma_semaphore, #tpu.memory_space<semaphore_mem>>)
      %add3A_593 = arith.addi %mul3A_2, %mul3A_10 : i32
      %add3A_594 = arith.constant 10 : i32
      %add3A_595 = arith.addi %add3A_593, %add3A_594 : i32
      %dma_start3A_596 = arith.constant 10 : i32
      %dma_start3A_597 = arith.constant 0 : i32
      %dma_start3A_598 = arith.constant 0 : i32
      %dma_start3A_599 = tpu.memref_slice %arg6[%dma_start3A_596, %dma_start3A_597, %dma_start3A_598] : memref<16x50x32xf32, #tpu.memory_space<vmem>> -> memref<1x50x32xf32, #tpu.memory_space<vmem>>
      %dma_start3A_600 = tpu.memref_squeeze %dma_start3A_599 : memref<1x50x32xf32, #tpu.memory_space<vmem>> -> memref<50x32xf32, #tpu.memory_space<vmem>>
      %dma_start3A_601 = arith.constant 0 : i32
      %dma_start3A_602 = arith.constant 0 : i32
      %dma_start3A_603 = tpu.memref_slice %arg4[%add3A_595, %dma_start3A_601, %dma_start3A_602] : memref<16384x50x32xf32, #tpu.memory_space<hbm>> -> memref<1x50x32xf32, #tpu.memory_space<hbm>>
      %dma_start3A_604 = tpu.memref_squeeze %dma_start3A_603 : memref<1x50x32xf32, #tpu.memory_space<hbm>> -> memref<50x32xf32, #tpu.memory_space<hbm>>
      %dma_start3A_605 = arith.constant 0 : i32
      %dma_start3A_606 = arith.constant 0 : i32
      %dma_start3A_607 = tpu.memref_slice %arg4[%add3A_595, %dma_start3A_605, %dma_start3A_606] : memref<16384x50x32xf32, #tpu.memory_space<hbm>> -> memref<1x50x32xf32, #tpu.memory_space<hbm>>
      %dma_start3A_608 = tpu.memref_squeeze %dma_start3A_607 : memref<1x50x32xf32, #tpu.memory_space<hbm>> -> memref<50x32xf32, #tpu.memory_space<hbm>>
      %dma_start3A_609 = arith.constant 0 : i32
      %dma_start3A_610 = arith.constant 0 : i32
      %dma_start3A_611 = tpu.memref_slice %arg6[%dma_start3A_596, %dma_start3A_609, %dma_start3A_610] : memref<16x50x32xf32, #tpu.memory_space<vmem>> -> memref<1x50x32xf32, #tpu.memory_space<vmem>>
      %dma_start3A_612 = tpu.memref_squeeze %dma_start3A_611 : memref<1x50x32xf32, #tpu.memory_space<vmem>> -> memref<50x32xf32, #tpu.memory_space<vmem>>
      tpu.enqueue_dma source(%dma_start3A_612 : memref<50x32xf32, #tpu.memory_space<vmem>>) target(%dma_start3A_608 : memref<50x32xf32, #tpu.memory_space<hbm>>) target_semaphore(%arg8 : memref<!tpu.dma_semaphore, #tpu.memory_space<semaphore_mem>>)
      %add3A_613 = arith.addi %mul3A_2, %mul3A_10 : i32
      %add3A_614 = arith.constant 11 : i32
      %add3A_615 = arith.addi %add3A_613, %add3A_614 : i32
      %dma_start3A_616 = arith.constant 11 : i32
      %dma_start3A_617 = arith.constant 0 : i32
      %dma_start3A_618 = arith.constant 0 : i32
      %dma_start3A_619 = tpu.memref_slice %arg6[%dma_start3A_616, %dma_start3A_617, %dma_start3A_618] : memref<16x50x32xf32, #tpu.memory_space<vmem>> -> memref<1x50x32xf32, #tpu.memory_space<vmem>>
      %dma_start3A_620 = tpu.memref_squeeze %dma_start3A_619 : memref<1x50x32xf32, #tpu.memory_space<vmem>> -> memref<50x32xf32, #tpu.memory_space<vmem>>
      %dma_start3A_621 = arith.constant 0 : i32
      %dma_start3A_622 = arith.constant 0 : i32
      %dma_start3A_623 = tpu.memref_slice %arg4[%add3A_615, %dma_start3A_621, %dma_start3A_622] : memref<16384x50x32xf32, #tpu.memory_space<hbm>> -> memref<1x50x32xf32, #tpu.memory_space<hbm>>
      %dma_start3A_624 = tpu.memref_squeeze %dma_start3A_623 : memref<1x50x32xf32, #tpu.memory_space<hbm>> -> memref<50x32xf32, #tpu.memory_space<hbm>>
      %dma_start3A_625 = arith.constant 0 : i32
      %dma_start3A_626 = arith.constant 0 : i32
      %dma_start3A_627 = tpu.memref_slice %arg4[%add3A_615, %dma_start3A_625, %dma_start3A_626] : memref<16384x50x32xf32, #tpu.memory_space<hbm>> -> memref<1x50x32xf32, #tpu.memory_space<hbm>>
      %dma_start3A_628 = tpu.memref_squeeze %dma_start3A_627 : memref<1x50x32xf32, #tpu.memory_space<hbm>> -> memref<50x32xf32, #tpu.memory_space<hbm>>
      %dma_start3A_629 = arith.constant 0 : i32
      %dma_start3A_630 = arith.constant 0 : i32
      %dma_start3A_631 = tpu.memref_slice %arg6[%dma_start3A_616, %dma_start3A_629, %dma_start3A_630] : memref<16x50x32xf32, #tpu.memory_space<vmem>> -> memref<1x50x32xf32, #tpu.memory_space<vmem>>
      %dma_start3A_632 = tpu.memref_squeeze %dma_start3A_631 : memref<1x50x32xf32, #tpu.memory_space<vmem>> -> memref<50x32xf32, #tpu.memory_space<vmem>>
      tpu.enqueue_dma source(%dma_start3A_632 : memref<50x32xf32, #tpu.memory_space<vmem>>) target(%dma_start3A_628 : memref<50x32xf32, #tpu.memory_space<hbm>>) target_semaphore(%arg8 : memref<!tpu.dma_semaphore, #tpu.memory_space<semaphore_mem>>)
      %add3A_633 = arith.addi %mul3A_2, %mul3A_10 : i32
      %add3A_634 = arith.constant 12 : i32
      %add3A_635 = arith.addi %add3A_633, %add3A_634 : i32
      %dma_start3A_636 = arith.constant 12 : i32
      %dma_start3A_637 = arith.constant 0 : i32
      %dma_start3A_638 = arith.constant 0 : i32
      %dma_start3A_639 = tpu.memref_slice %arg6[%dma_start3A_636, %dma_start3A_637, %dma_start3A_638] : memref<16x50x32xf32, #tpu.memory_space<vmem>> -> memref<1x50x32xf32, #tpu.memory_space<vmem>>
      %dma_start3A_640 = tpu.memref_squeeze %dma_start3A_639 : memref<1x50x32xf32, #tpu.memory_space<vmem>> -> memref<50x32xf32, #tpu.memory_space<vmem>>
      %dma_start3A_641 = arith.constant 0 : i32
      %dma_start3A_642 = arith.constant 0 : i32
      %dma_start3A_643 = tpu.memref_slice %arg4[%add3A_635, %dma_start3A_641, %dma_start3A_642] : memref<16384x50x32xf32, #tpu.memory_space<hbm>> -> memref<1x50x32xf32, #tpu.memory_space<hbm>>
      %dma_start3A_644 = tpu.memref_squeeze %dma_start3A_643 : memref<1x50x32xf32, #tpu.memory_space<hbm>> -> memref<50x32xf32, #tpu.memory_space<hbm>>
      %dma_start3A_645 = arith.constant 0 : i32
      %dma_start3A_646 = arith.constant 0 : i32
      %dma_start3A_647 = tpu.memref_slice %arg4[%add3A_635, %dma_start3A_645, %dma_start3A_646] : memref<16384x50x32xf32, #tpu.memory_space<hbm>> -> memref<1x50x32xf32, #tpu.memory_space<hbm>>
      %dma_start3A_648 = tpu.memref_squeeze %dma_start3A_647 : memref<1x50x32xf32, #tpu.memory_space<hbm>> -> memref<50x32xf32, #tpu.memory_space<hbm>>
      %dma_start3A_649 = arith.constant 0 : i32
      %dma_start3A_650 = arith.constant 0 : i32
      %dma_start3A_651 = tpu.memref_slice %arg6[%dma_start3A_636, %dma_start3A_649, %dma_start3A_650] : memref<16x50x32xf32, #tpu.memory_space<vmem>> -> memref<1x50x32xf32, #tpu.memory_space<vmem>>
      %dma_start3A_652 = tpu.memref_squeeze %dma_start3A_651 : memref<1x50x32xf32, #tpu.memory_space<vmem>> -> memref<50x32xf32, #tpu.memory_space<vmem>>
      tpu.enqueue_dma source(%dma_start3A_652 : memref<50x32xf32, #tpu.memory_space<vmem>>) target(%dma_start3A_648 : memref<50x32xf32, #tpu.memory_space<hbm>>) target_semaphore(%arg8 : memref<!tpu.dma_semaphore, #tpu.memory_space<semaphore_mem>>)
      %add3A_653 = arith.addi %mul3A_2, %mul3A_10 : i32
      %add3A_654 = arith.constant 13 : i32
      %add3A_655 = arith.addi %add3A_653, %add3A_654 : i32
      %dma_start3A_656 = arith.constant 13 : i32
      %dma_start3A_657 = arith.constant 0 : i32
      %dma_start3A_658 = arith.constant 0 : i32
      %dma_start3A_659 = tpu.memref_slice %arg6[%dma_start3A_656, %dma_start3A_657, %dma_start3A_658] : memref<16x50x32xf32, #tpu.memory_space<vmem>> -> memref<1x50x32xf32, #tpu.memory_space<vmem>>
      %dma_start3A_660 = tpu.memref_squeeze %dma_start3A_659 : memref<1x50x32xf32, #tpu.memory_space<vmem>> -> memref<50x32xf32, #tpu.memory_space<vmem>>
      %dma_start3A_661 = arith.constant 0 : i32
      %dma_start3A_662 = arith.constant 0 : i32
      %dma_start3A_663 = tpu.memref_slice %arg4[%add3A_655, %dma_start3A_661, %dma_start3A_662] : memref<16384x50x32xf32, #tpu.memory_space<hbm>> -> memref<1x50x32xf32, #tpu.memory_space<hbm>>
      %dma_start3A_664 = tpu.memref_squeeze %dma_start3A_663 : memref<1x50x32xf32, #tpu.memory_space<hbm>> -> memref<50x32xf32, #tpu.memory_space<hbm>>
      %dma_start3A_665 = arith.constant 0 : i32
      %dma_start3A_666 = arith.constant 0 : i32
      %dma_start3A_667 = tpu.memref_slice %arg4[%add3A_655, %dma_start3A_665, %dma_start3A_666] : memref<16384x50x32xf32, #tpu.memory_space<hbm>> -> memref<1x50x32xf32, #tpu.memory_space<hbm>>
      %dma_start3A_668 = tpu.memref_squeeze %dma_start3A_667 : memref<1x50x32xf32, #tpu.memory_space<hbm>> -> memref<50x32xf32, #tpu.memory_space<hbm>>
      %dma_start3A_669 = arith.constant 0 : i32
      %dma_start3A_670 = arith.constant 0 : i32
      %dma_start3A_671 = tpu.memref_slice %arg6[%dma_start3A_656, %dma_start3A_669, %dma_start3A_670] : memref<16x50x32xf32, #tpu.memory_space<vmem>> -> memref<1x50x32xf32, #tpu.memory_space<vmem>>
      %dma_start3A_672 = tpu.memref_squeeze %dma_start3A_671 : memref<1x50x32xf32, #tpu.memory_space<vmem>> -> memref<50x32xf32, #tpu.memory_space<vmem>>
      tpu.enqueue_dma source(%dma_start3A_672 : memref<50x32xf32, #tpu.memory_space<vmem>>) target(%dma_start3A_668 : memref<50x32xf32, #tpu.memory_space<hbm>>) target_semaphore(%arg8 : memref<!tpu.dma_semaphore, #tpu.memory_space<semaphore_mem>>)
      %add3A_673 = arith.addi %mul3A_2, %mul3A_10 : i32
      %add3A_674 = arith.constant 14 : i32
      %add3A_675 = arith.addi %add3A_673, %add3A_674 : i32
      %dma_start3A_676 = arith.constant 14 : i32
      %dma_start3A_677 = arith.constant 0 : i32
      %dma_start3A_678 = arith.constant 0 : i32
      %dma_start3A_679 = tpu.memref_slice %arg6[%dma_start3A_676, %dma_start3A_677, %dma_start3A_678] : memref<16x50x32xf32, #tpu.memory_space<vmem>> -> memref<1x50x32xf32, #tpu.memory_space<vmem>>
      %dma_start3A_680 = tpu.memref_squeeze %dma_start3A_679 : memref<1x50x32xf32, #tpu.memory_space<vmem>> -> memref<50x32xf32, #tpu.memory_space<vmem>>
      %dma_start3A_681 = arith.constant 0 : i32
      %dma_start3A_682 = arith.constant 0 : i32
      %dma_start3A_683 = tpu.memref_slice %arg4[%add3A_675, %dma_start3A_681, %dma_start3A_682] : memref<16384x50x32xf32, #tpu.memory_space<hbm>> -> memref<1x50x32xf32, #tpu.memory_space<hbm>>
      %dma_start3A_684 = tpu.memref_squeeze %dma_start3A_683 : memref<1x50x32xf32, #tpu.memory_space<hbm>> -> memref<50x32xf32, #tpu.memory_space<hbm>>
      %dma_start3A_685 = arith.constant 0 : i32
      %dma_start3A_686 = arith.constant 0 : i32
      %dma_start3A_687 = tpu.memref_slice %arg4[%add3A_675, %dma_start3A_685, %dma_start3A_686] : memref<16384x50x32xf32, #tpu.memory_space<hbm>> -> memref<1x50x32xf32, #tpu.memory_space<hbm>>
      %dma_start3A_688 = tpu.memref_squeeze %dma_start3A_687 : memref<1x50x32xf32, #tpu.memory_space<hbm>> -> memref<50x32xf32, #tpu.memory_space<hbm>>
      %dma_start3A_689 = arith.constant 0 : i32
      %dma_start3A_690 = arith.constant 0 : i32
      %dma_start3A_691 = tpu.memref_slice %arg6[%dma_start3A_676, %dma_start3A_689, %dma_start3A_690] : memref<16x50x32xf32, #tpu.memory_space<vmem>> -> memref<1x50x32xf32, #tpu.memory_space<vmem>>
      %dma_start3A_692 = tpu.memref_squeeze %dma_start3A_691 : memref<1x50x32xf32, #tpu.memory_space<vmem>> -> memref<50x32xf32, #tpu.memory_space<vmem>>
      tpu.enqueue_dma source(%dma_start3A_692 : memref<50x32xf32, #tpu.memory_space<vmem>>) target(%dma_start3A_688 : memref<50x32xf32, #tpu.memory_space<hbm>>) target_semaphore(%arg8 : memref<!tpu.dma_semaphore, #tpu.memory_space<semaphore_mem>>)
      %add3A_693 = arith.addi %mul3A_2, %mul3A_10 : i32
      %add3A_694 = arith.constant 15 : i32
      %add3A_695 = arith.addi %add3A_693, %add3A_694 : i32
      %dma_start3A_696 = arith.constant 15 : i32
      %dma_start3A_697 = arith.constant 0 : i32
      %dma_start3A_698 = arith.constant 0 : i32
      %dma_start3A_699 = tpu.memref_slice %arg6[%dma_start3A_696, %dma_start3A_697, %dma_start3A_698] : memref<16x50x32xf32, #tpu.memory_space<vmem>> -> memref<1x50x32xf32, #tpu.memory_space<vmem>>
      %dma_start3A_700 = tpu.memref_squeeze %dma_start3A_699 : memref<1x50x32xf32, #tpu.memory_space<vmem>> -> memref<50x32xf32, #tpu.memory_space<vmem>>
      %dma_start3A_701 = arith.constant 0 : i32
      %dma_start3A_702 = arith.constant 0 : i32
      %dma_start3A_703 = tpu.memref_slice %arg4[%add3A_695, %dma_start3A_701, %dma_start3A_702] : memref<16384x50x32xf32, #tpu.memory_space<hbm>> -> memref<1x50x32xf32, #tpu.memory_space<hbm>>
      %dma_start3A_704 = tpu.memref_squeeze %dma_start3A_703 : memref<1x50x32xf32, #tpu.memory_space<hbm>> -> memref<50x32xf32, #tpu.memory_space<hbm>>
      %dma_start3A_705 = arith.constant 0 : i32
      %dma_start3A_706 = arith.constant 0 : i32
      %dma_start3A_707 = tpu.memref_slice %arg4[%add3A_695, %dma_start3A_705, %dma_start3A_706] : memref<16384x50x32xf32, #tpu.memory_space<hbm>> -> memref<1x50x32xf32, #tpu.memory_space<hbm>>
      %dma_start3A_708 = tpu.memref_squeeze %dma_start3A_707 : memref<1x50x32xf32, #tpu.memory_space<hbm>> -> memref<50x32xf32, #tpu.memory_space<hbm>>
      %dma_start3A_709 = arith.constant 0 : i32
      %dma_start3A_710 = arith.constant 0 : i32
      %dma_start3A_711 = tpu.memref_slice %arg6[%dma_start3A_696, %dma_start3A_709, %dma_start3A_710] : memref<16x50x32xf32, #tpu.memory_space<vmem>> -> memref<1x50x32xf32, #tpu.memory_space<vmem>>
      %dma_start3A_712 = tpu.memref_squeeze %dma_start3A_711 : memref<1x50x32xf32, #tpu.memory_space<vmem>> -> memref<50x32xf32, #tpu.memory_space<vmem>>
      tpu.enqueue_dma source(%dma_start3A_712 : memref<50x32xf32, #tpu.memory_space<vmem>>) target(%dma_start3A_708 : memref<50x32xf32, #tpu.memory_space<hbm>>) target_semaphore(%arg8 : memref<!tpu.dma_semaphore, #tpu.memory_space<semaphore_mem>>)
      %dma_wait3A_713 = arith.constant 0 : i32
      %dma_wait3A_714 = arith.constant 0 : i32
      %dma_wait3A_715 = arith.constant 0 : i32
      %dma_wait3A_716 = tpu.memref_slice %arg6[%dma_wait3A_713, %dma_wait3A_714, %dma_wait3A_715] : memref<16x50x32xf32, #tpu.memory_space<vmem>> -> memref<1x50x32xf32, #tpu.memory_space<vmem>>
      %dma_wait3A_717 = tpu.memref_squeeze %dma_wait3A_716 : memref<1x50x32xf32, #tpu.memory_space<vmem>> -> memref<50x32xf32, #tpu.memory_space<vmem>>
      %dma_wait3A_718 = arith.constant 0 : i32
      %dma_wait3A_719 = arith.constant 0 : i32
      %dma_wait3A_720 = tpu.memref_slice %arg4[%add3A_395, %dma_wait3A_718, %dma_wait3A_719] : memref<16384x50x32xf32, #tpu.memory_space<hbm>> -> memref<1x50x32xf32, #tpu.memory_space<hbm>>
      %dma_wait3A_721 = tpu.memref_squeeze %dma_wait3A_720 : memref<1x50x32xf32, #tpu.memory_space<hbm>> -> memref<50x32xf32, #tpu.memory_space<hbm>>
      %dma_wait3A_722 = arith.constant 0 : i32
      %dma_wait3A_723 = arith.constant 0 : i32
      %dma_wait3A_724 = tpu.memref_slice %arg4[%add3A_395, %dma_wait3A_722, %dma_wait3A_723] : memref<16384x50x32xf32, #tpu.memory_space<hbm>> -> memref<1x50x32xf32, #tpu.memory_space<hbm>>
      %dma_wait3A_725 = tpu.memref_squeeze %dma_wait3A_724 : memref<1x50x32xf32, #tpu.memory_space<hbm>> -> memref<50x32xf32, #tpu.memory_space<hbm>>
      %dma_wait3A_726 = arith.constant 0 : i32
      %dma_wait3A_727 = arith.constant 0 : i32
      %dma_wait3A_728 = tpu.memref_slice %arg6[%dma_wait3A_713, %dma_wait3A_726, %dma_wait3A_727] : memref<16x50x32xf32, #tpu.memory_space<vmem>> -> memref<1x50x32xf32, #tpu.memory_space<vmem>>
      %dma_wait3A_729 = tpu.memref_squeeze %dma_wait3A_728 : memref<1x50x32xf32, #tpu.memory_space<vmem>> -> memref<50x32xf32, #tpu.memory_space<vmem>>
      tpu.wait_dma2 semaphore(%arg8 : memref<!tpu.dma_semaphore, #tpu.memory_space<semaphore_mem>>) src(%dma_wait3A_729 : memref<50x32xf32, #tpu.memory_space<vmem>>) dst(%dma_wait3A_725 : memref<50x32xf32, #tpu.memory_space<hbm>>)
      %dma_wait3A_730 = arith.constant 1 : i32
      %dma_wait3A_731 = arith.constant 0 : i32
      %dma_wait3A_732 = arith.constant 0 : i32
      %dma_wait3A_733 = tpu.memref_slice %arg6[%dma_wait3A_730, %dma_wait3A_731, %dma_wait3A_732] : memref<16x50x32xf32, #tpu.memory_space<vmem>> -> memref<1x50x32xf32, #tpu.memory_space<vmem>>
      %dma_wait3A_734 = tpu.memref_squeeze %dma_wait3A_733 : memref<1x50x32xf32, #tpu.memory_space<vmem>> -> memref<50x32xf32, #tpu.memory_space<vmem>>
      %dma_wait3A_735 = arith.constant 0 : i32
      %dma_wait3A_736 = arith.constant 0 : i32
      %dma_wait3A_737 = tpu.memref_slice %arg4[%add3A_415, %dma_wait3A_735, %dma_wait3A_736] : memref<16384x50x32xf32, #tpu.memory_space<hbm>> -> memref<1x50x32xf32, #tpu.memory_space<hbm>>
      %dma_wait3A_738 = tpu.memref_squeeze %dma_wait3A_737 : memref<1x50x32xf32, #tpu.memory_space<hbm>> -> memref<50x32xf32, #tpu.memory_space<hbm>>
      %dma_wait3A_739 = arith.constant 0 : i32
      %dma_wait3A_740 = arith.constant 0 : i32
      %dma_wait3A_741 = tpu.memref_slice %arg4[%add3A_415, %dma_wait3A_739, %dma_wait3A_740] : memref<16384x50x32xf32, #tpu.memory_space<hbm>> -> memref<1x50x32xf32, #tpu.memory_space<hbm>>
      %dma_wait3A_742 = tpu.memref_squeeze %dma_wait3A_741 : memref<1x50x32xf32, #tpu.memory_space<hbm>> -> memref<50x32xf32, #tpu.memory_space<hbm>>
      %dma_wait3A_743 = arith.constant 0 : i32
      %dma_wait3A_744 = arith.constant 0 : i32
      %dma_wait3A_745 = tpu.memref_slice %arg6[%dma_wait3A_730, %dma_wait3A_743, %dma_wait3A_744] : memref<16x50x32xf32, #tpu.memory_space<vmem>> -> memref<1x50x32xf32, #tpu.memory_space<vmem>>
      %dma_wait3A_746 = tpu.memref_squeeze %dma_wait3A_745 : memref<1x50x32xf32, #tpu.memory_space<vmem>> -> memref<50x32xf32, #tpu.memory_space<vmem>>
      tpu.wait_dma2 semaphore(%arg8 : memref<!tpu.dma_semaphore, #tpu.memory_space<semaphore_mem>>) src(%dma_wait3A_746 : memref<50x32xf32, #tpu.memory_space<vmem>>) dst(%dma_wait3A_742 : memref<50x32xf32, #tpu.memory_space<hbm>>)
      %dma_wait3A_747 = arith.constant 2 : i32
      %dma_wait3A_748 = arith.constant 0 : i32
      %dma_wait3A_749 = arith.constant 0 : i32
      %dma_wait3A_750 = tpu.memref_slice %arg6[%dma_wait3A_747, %dma_wait3A_748, %dma_wait3A_749] : memref<16x50x32xf32, #tpu.memory_space<vmem>> -> memref<1x50x32xf32, #tpu.memory_space<vmem>>
      %dma_wait3A_751 = tpu.memref_squeeze %dma_wait3A_750 : memref<1x50x32xf32, #tpu.memory_space<vmem>> -> memref<50x32xf32, #tpu.memory_space<vmem>>
      %dma_wait3A_752 = arith.constant 0 : i32
      %dma_wait3A_753 = arith.constant 0 : i32
      %dma_wait3A_754 = tpu.memref_slice %arg4[%add3A_435, %dma_wait3A_752, %dma_wait3A_753] : memref<16384x50x32xf32, #tpu.memory_space<hbm>> -> memref<1x50x32xf32, #tpu.memory_space<hbm>>
      %dma_wait3A_755 = tpu.memref_squeeze %dma_wait3A_754 : memref<1x50x32xf32, #tpu.memory_space<hbm>> -> memref<50x32xf32, #tpu.memory_space<hbm>>
      %dma_wait3A_756 = arith.constant 0 : i32
      %dma_wait3A_757 = arith.constant 0 : i32
      %dma_wait3A_758 = tpu.memref_slice %arg4[%add3A_435, %dma_wait3A_756, %dma_wait3A_757] : memref<16384x50x32xf32, #tpu.memory_space<hbm>> -> memref<1x50x32xf32, #tpu.memory_space<hbm>>
      %dma_wait3A_759 = tpu.memref_squeeze %dma_wait3A_758 : memref<1x50x32xf32, #tpu.memory_space<hbm>> -> memref<50x32xf32, #tpu.memory_space<hbm>>
      %dma_wait3A_760 = arith.constant 0 : i32
      %dma_wait3A_761 = arith.constant 0 : i32
      %dma_wait3A_762 = tpu.memref_slice %arg6[%dma_wait3A_747, %dma_wait3A_760, %dma_wait3A_761] : memref<16x50x32xf32, #tpu.memory_space<vmem>> -> memref<1x50x32xf32, #tpu.memory_space<vmem>>
      %dma_wait3A_763 = tpu.memref_squeeze %dma_wait3A_762 : memref<1x50x32xf32, #tpu.memory_space<vmem>> -> memref<50x32xf32, #tpu.memory_space<vmem>>
      tpu.wait_dma2 semaphore(%arg8 : memref<!tpu.dma_semaphore, #tpu.memory_space<semaphore_mem>>) src(%dma_wait3A_763 : memref<50x32xf32, #tpu.memory_space<vmem>>) dst(%dma_wait3A_759 : memref<50x32xf32, #tpu.memory_space<hbm>>)
      %dma_wait3A_764 = arith.constant 3 : i32
      %dma_wait3A_765 = arith.constant 0 : i32
      %dma_wait3A_766 = arith.constant 0 : i32
      %dma_wait3A_767 = tpu.memref_slice %arg6[%dma_wait3A_764, %dma_wait3A_765, %dma_wait3A_766] : memref<16x50x32xf32, #tpu.memory_space<vmem>> -> memref<1x50x32xf32, #tpu.memory_space<vmem>>
      %dma_wait3A_768 = tpu.memref_squeeze %dma_wait3A_767 : memref<1x50x32xf32, #tpu.memory_space<vmem>> -> memref<50x32xf32, #tpu.memory_space<vmem>>
      %dma_wait3A_769 = arith.constant 0 : i32
      %dma_wait3A_770 = arith.constant 0 : i32
      %dma_wait3A_771 = tpu.memref_slice %arg4[%add3A_455, %dma_wait3A_769, %dma_wait3A_770] : memref<16384x50x32xf32, #tpu.memory_space<hbm>> -> memref<1x50x32xf32, #tpu.memory_space<hbm>>
      %dma_wait3A_772 = tpu.memref_squeeze %dma_wait3A_771 : memref<1x50x32xf32, #tpu.memory_space<hbm>> -> memref<50x32xf32, #tpu.memory_space<hbm>>
      %dma_wait3A_773 = arith.constant 0 : i32
      %dma_wait3A_774 = arith.constant 0 : i32
      %dma_wait3A_775 = tpu.memref_slice %arg4[%add3A_455, %dma_wait3A_773, %dma_wait3A_774] : memref<16384x50x32xf32, #tpu.memory_space<hbm>> -> memref<1x50x32xf32, #tpu.memory_space<hbm>>
      %dma_wait3A_776 = tpu.memref_squeeze %dma_wait3A_775 : memref<1x50x32xf32, #tpu.memory_space<hbm>> -> memref<50x32xf32, #tpu.memory_space<hbm>>
      %dma_wait3A_777 = arith.constant 0 : i32
      %dma_wait3A_778 = arith.constant 0 : i32
      %dma_wait3A_779 = tpu.memref_slice %arg6[%dma_wait3A_764, %dma_wait3A_777, %dma_wait3A_778] : memref<16x50x32xf32, #tpu.memory_space<vmem>> -> memref<1x50x32xf32, #tpu.memory_space<vmem>>
      %dma_wait3A_780 = tpu.memref_squeeze %dma_wait3A_779 : memref<1x50x32xf32, #tpu.memory_space<vmem>> -> memref<50x32xf32, #tpu.memory_space<vmem>>
      tpu.wait_dma2 semaphore(%arg8 : memref<!tpu.dma_semaphore, #tpu.memory_space<semaphore_mem>>) src(%dma_wait3A_780 : memref<50x32xf32, #tpu.memory_space<vmem>>) dst(%dma_wait3A_776 : memref<50x32xf32, #tpu.memory_space<hbm>>)
      %dma_wait3A_781 = arith.constant 4 : i32
      %dma_wait3A_782 = arith.constant 0 : i32
      %dma_wait3A_783 = arith.constant 0 : i32
      %dma_wait3A_784 = tpu.memref_slice %arg6[%dma_wait3A_781, %dma_wait3A_782, %dma_wait3A_783] : memref<16x50x32xf32, #tpu.memory_space<vmem>> -> memref<1x50x32xf32, #tpu.memory_space<vmem>>
      %dma_wait3A_785 = tpu.memref_squeeze %dma_wait3A_784 : memref<1x50x32xf32, #tpu.memory_space<vmem>> -> memref<50x32xf32, #tpu.memory_space<vmem>>
      %dma_wait3A_786 = arith.constant 0 : i32
      %dma_wait3A_787 = arith.constant 0 : i32
      %dma_wait3A_788 = tpu.memref_slice %arg4[%add3A_475, %dma_wait3A_786, %dma_wait3A_787] : memref<16384x50x32xf32, #tpu.memory_space<hbm>> -> memref<1x50x32xf32, #tpu.memory_space<hbm>>
      %dma_wait3A_789 = tpu.memref_squeeze %dma_wait3A_788 : memref<1x50x32xf32, #tpu.memory_space<hbm>> -> memref<50x32xf32, #tpu.memory_space<hbm>>
      %dma_wait3A_790 = arith.constant 0 : i32
      %dma_wait3A_791 = arith.constant 0 : i32
      %dma_wait3A_792 = tpu.memref_slice %arg4[%add3A_475, %dma_wait3A_790, %dma_wait3A_791] : memref<16384x50x32xf32, #tpu.memory_space<hbm>> -> memref<1x50x32xf32, #tpu.memory_space<hbm>>
      %dma_wait3A_793 = tpu.memref_squeeze %dma_wait3A_792 : memref<1x50x32xf32, #tpu.memory_space<hbm>> -> memref<50x32xf32, #tpu.memory_space<hbm>>
      %dma_wait3A_794 = arith.constant 0 : i32
      %dma_wait3A_795 = arith.constant 0 : i32
      %dma_wait3A_796 = tpu.memref_slice %arg6[%dma_wait3A_781, %dma_wait3A_794, %dma_wait3A_795] : memref<16x50x32xf32, #tpu.memory_space<vmem>> -> memref<1x50x32xf32, #tpu.memory_space<vmem>>
      %dma_wait3A_797 = tpu.memref_squeeze %dma_wait3A_796 : memref<1x50x32xf32, #tpu.memory_space<vmem>> -> memref<50x32xf32, #tpu.memory_space<vmem>>
      tpu.wait_dma2 semaphore(%arg8 : memref<!tpu.dma_semaphore, #tpu.memory_space<semaphore_mem>>) src(%dma_wait3A_797 : memref<50x32xf32, #tpu.memory_space<vmem>>) dst(%dma_wait3A_793 : memref<50x32xf32, #tpu.memory_space<hbm>>)
      %dma_wait3A_798 = arith.constant 5 : i32
      %dma_wait3A_799 = arith.constant 0 : i32
      %dma_wait3A_800 = arith.constant 0 : i32
      %dma_wait3A_801 = tpu.memref_slice %arg6[%dma_wait3A_798, %dma_wait3A_799, %dma_wait3A_800] : memref<16x50x32xf32, #tpu.memory_space<vmem>> -> memref<1x50x32xf32, #tpu.memory_space<vmem>>
      %dma_wait3A_802 = tpu.memref_squeeze %dma_wait3A_801 : memref<1x50x32xf32, #tpu.memory_space<vmem>> -> memref<50x32xf32, #tpu.memory_space<vmem>>
      %dma_wait3A_803 = arith.constant 0 : i32
      %dma_wait3A_804 = arith.constant 0 : i32
      %dma_wait3A_805 = tpu.memref_slice %arg4[%add3A_495, %dma_wait3A_803, %dma_wait3A_804] : memref<16384x50x32xf32, #tpu.memory_space<hbm>> -> memref<1x50x32xf32, #tpu.memory_space<hbm>>
      %dma_wait3A_806 = tpu.memref_squeeze %dma_wait3A_805 : memref<1x50x32xf32, #tpu.memory_space<hbm>> -> memref<50x32xf32, #tpu.memory_space<hbm>>
      %dma_wait3A_807 = arith.constant 0 : i32
      %dma_wait3A_808 = arith.constant 0 : i32
      %dma_wait3A_809 = tpu.memref_slice %arg4[%add3A_495, %dma_wait3A_807, %dma_wait3A_808] : memref<16384x50x32xf32, #tpu.memory_space<hbm>> -> memref<1x50x32xf32, #tpu.memory_space<hbm>>
      %dma_wait3A_810 = tpu.memref_squeeze %dma_wait3A_809 : memref<1x50x32xf32, #tpu.memory_space<hbm>> -> memref<50x32xf32, #tpu.memory_space<hbm>>
      %dma_wait3A_811 = arith.constant 0 : i32
      %dma_wait3A_812 = arith.constant 0 : i32
      %dma_wait3A_813 = tpu.memref_slice %arg6[%dma_wait3A_798, %dma_wait3A_811, %dma_wait3A_812] : memref<16x50x32xf32, #tpu.memory_space<vmem>> -> memref<1x50x32xf32, #tpu.memory_space<vmem>>
      %dma_wait3A_814 = tpu.memref_squeeze %dma_wait3A_813 : memref<1x50x32xf32, #tpu.memory_space<vmem>> -> memref<50x32xf32, #tpu.memory_space<vmem>>
      tpu.wait_dma2 semaphore(%arg8 : memref<!tpu.dma_semaphore, #tpu.memory_space<semaphore_mem>>) src(%dma_wait3A_814 : memref<50x32xf32, #tpu.memory_space<vmem>>) dst(%dma_wait3A_810 : memref<50x32xf32, #tpu.memory_space<hbm>>)
      %dma_wait3A_815 = arith.constant 6 : i32
      %dma_wait3A_816 = arith.constant 0 : i32
      %dma_wait3A_817 = arith.constant 0 : i32
      %dma_wait3A_818 = tpu.memref_slice %arg6[%dma_wait3A_815, %dma_wait3A_816, %dma_wait3A_817] : memref<16x50x32xf32, #tpu.memory_space<vmem>> -> memref<1x50x32xf32, #tpu.memory_space<vmem>>
      %dma_wait3A_819 = tpu.memref_squeeze %dma_wait3A_818 : memref<1x50x32xf32, #tpu.memory_space<vmem>> -> memref<50x32xf32, #tpu.memory_space<vmem>>
      %dma_wait3A_820 = arith.constant 0 : i32
      %dma_wait3A_821 = arith.constant 0 : i32
      %dma_wait3A_822 = tpu.memref_slice %arg4[%add3A_515, %dma_wait3A_820, %dma_wait3A_821] : memref<16384x50x32xf32, #tpu.memory_space<hbm>> -> memref<1x50x32xf32, #tpu.memory_space<hbm>>
      %dma_wait3A_823 = tpu.memref_squeeze %dma_wait3A_822 : memref<1x50x32xf32, #tpu.memory_space<hbm>> -> memref<50x32xf32, #tpu.memory_space<hbm>>
      %dma_wait3A_824 = arith.constant 0 : i32
      %dma_wait3A_825 = arith.constant 0 : i32
      %dma_wait3A_826 = tpu.memref_slice %arg4[%add3A_515, %dma_wait3A_824, %dma_wait3A_825] : memref<16384x50x32xf32, #tpu.memory_space<hbm>> -> memref<1x50x32xf32, #tpu.memory_space<hbm>>
      %dma_wait3A_827 = tpu.memref_squeeze %dma_wait3A_826 : memref<1x50x32xf32, #tpu.memory_space<hbm>> -> memref<50x32xf32, #tpu.memory_space<hbm>>
      %dma_wait3A_828 = arith.constant 0 : i32
      %dma_wait3A_829 = arith.constant 0 : i32
      %dma_wait3A_830 = tpu.memref_slice %arg6[%dma_wait3A_815, %dma_wait3A_828, %dma_wait3A_829] : memref<16x50x32xf32, #tpu.memory_space<vmem>> -> memref<1x50x32xf32, #tpu.memory_space<vmem>>
      %dma_wait3A_831 = tpu.memref_squeeze %dma_wait3A_830 : memref<1x50x32xf32, #tpu.memory_space<vmem>> -> memref<50x32xf32, #tpu.memory_space<vmem>>
      tpu.wait_dma2 semaphore(%arg8 : memref<!tpu.dma_semaphore, #tpu.memory_space<semaphore_mem>>) src(%dma_wait3A_831 : memref<50x32xf32, #tpu.memory_space<vmem>>) dst(%dma_wait3A_827 : memref<50x32xf32, #tpu.memory_space<hbm>>)
      %dma_wait3A_832 = arith.constant 7 : i32
      %dma_wait3A_833 = arith.constant 0 : i32
      %dma_wait3A_834 = arith.constant 0 : i32
      %dma_wait3A_835 = tpu.memref_slice %arg6[%dma_wait3A_832, %dma_wait3A_833, %dma_wait3A_834] : memref<16x50x32xf32, #tpu.memory_space<vmem>> -> memref<1x50x32xf32, #tpu.memory_space<vmem>>
      %dma_wait3A_836 = tpu.memref_squeeze %dma_wait3A_835 : memref<1x50x32xf32, #tpu.memory_space<vmem>> -> memref<50x32xf32, #tpu.memory_space<vmem>>
      %dma_wait3A_837 = arith.constant 0 : i32
      %dma_wait3A_838 = arith.constant 0 : i32
      %dma_wait3A_839 = tpu.memref_slice %arg4[%add3A_535, %dma_wait3A_837, %dma_wait3A_838] : memref<16384x50x32xf32, #tpu.memory_space<hbm>> -> memref<1x50x32xf32, #tpu.memory_space<hbm>>
      %dma_wait3A_840 = tpu.memref_squeeze %dma_wait3A_839 : memref<1x50x32xf32, #tpu.memory_space<hbm>> -> memref<50x32xf32, #tpu.memory_space<hbm>>
      %dma_wait3A_841 = arith.constant 0 : i32
      %dma_wait3A_842 = arith.constant 0 : i32
      %dma_wait3A_843 = tpu.memref_slice %arg4[%add3A_535, %dma_wait3A_841, %dma_wait3A_842] : memref<16384x50x32xf32, #tpu.memory_space<hbm>> -> memref<1x50x32xf32, #tpu.memory_space<hbm>>
      %dma_wait3A_844 = tpu.memref_squeeze %dma_wait3A_843 : memref<1x50x32xf32, #tpu.memory_space<hbm>> -> memref<50x32xf32, #tpu.memory_space<hbm>>
      %dma_wait3A_845 = arith.constant 0 : i32
      %dma_wait3A_846 = arith.constant 0 : i32
      %dma_wait3A_847 = tpu.memref_slice %arg6[%dma_wait3A_832, %dma_wait3A_845, %dma_wait3A_846] : memref<16x50x32xf32, #tpu.memory_space<vmem>> -> memref<1x50x32xf32, #tpu.memory_space<vmem>>
      %dma_wait3A_848 = tpu.memref_squeeze %dma_wait3A_847 : memref<1x50x32xf32, #tpu.memory_space<vmem>> -> memref<50x32xf32, #tpu.memory_space<vmem>>
      tpu.wait_dma2 semaphore(%arg8 : memref<!tpu.dma_semaphore, #tpu.memory_space<semaphore_mem>>) src(%dma_wait3A_848 : memref<50x32xf32, #tpu.memory_space<vmem>>) dst(%dma_wait3A_844 : memref<50x32xf32, #tpu.memory_space<hbm>>)
      %dma_wait3A_849 = arith.constant 8 : i32
      %dma_wait3A_850 = arith.constant 0 : i32
      %dma_wait3A_851 = arith.constant 0 : i32
      %dma_wait3A_852 = tpu.memref_slice %arg6[%dma_wait3A_849, %dma_wait3A_850, %dma_wait3A_851] : memref<16x50x32xf32, #tpu.memory_space<vmem>> -> memref<1x50x32xf32, #tpu.memory_space<vmem>>
      %dma_wait3A_853 = tpu.memref_squeeze %dma_wait3A_852 : memref<1x50x32xf32, #tpu.memory_space<vmem>> -> memref<50x32xf32, #tpu.memory_space<vmem>>
      %dma_wait3A_854 = arith.constant 0 : i32
      %dma_wait3A_855 = arith.constant 0 : i32
      %dma_wait3A_856 = tpu.memref_slice %arg4[%add3A_555, %dma_wait3A_854, %dma_wait3A_855] : memref<16384x50x32xf32, #tpu.memory_space<hbm>> -> memref<1x50x32xf32, #tpu.memory_space<hbm>>
      %dma_wait3A_857 = tpu.memref_squeeze %dma_wait3A_856 : memref<1x50x32xf32, #tpu.memory_space<hbm>> -> memref<50x32xf32, #tpu.memory_space<hbm>>
      %dma_wait3A_858 = arith.constant 0 : i32
      %dma_wait3A_859 = arith.constant 0 : i32
      %dma_wait3A_860 = tpu.memref_slice %arg4[%add3A_555, %dma_wait3A_858, %dma_wait3A_859] : memref<16384x50x32xf32, #tpu.memory_space<hbm>> -> memref<1x50x32xf32, #tpu.memory_space<hbm>>
      %dma_wait3A_861 = tpu.memref_squeeze %dma_wait3A_860 : memref<1x50x32xf32, #tpu.memory_space<hbm>> -> memref<50x32xf32, #tpu.memory_space<hbm>>
      %dma_wait3A_862 = arith.constant 0 : i32
      %dma_wait3A_863 = arith.constant 0 : i32
      %dma_wait3A_864 = tpu.memref_slice %arg6[%dma_wait3A_849, %dma_wait3A_862, %dma_wait3A_863] : memref<16x50x32xf32, #tpu.memory_space<vmem>> -> memref<1x50x32xf32, #tpu.memory_space<vmem>>
      %dma_wait3A_865 = tpu.memref_squeeze %dma_wait3A_864 : memref<1x50x32xf32, #tpu.memory_space<vmem>> -> memref<50x32xf32, #tpu.memory_space<vmem>>
      tpu.wait_dma2 semaphore(%arg8 : memref<!tpu.dma_semaphore, #tpu.memory_space<semaphore_mem>>) src(%dma_wait3A_865 : memref<50x32xf32, #tpu.memory_space<vmem>>) dst(%dma_wait3A_861 : memref<50x32xf32, #tpu.memory_space<hbm>>)
      %dma_wait3A_866 = arith.constant 9 : i32
      %dma_wait3A_867 = arith.constant 0 : i32
      %dma_wait3A_868 = arith.constant 0 : i32
      %dma_wait3A_869 = tpu.memref_slice %arg6[%dma_wait3A_866, %dma_wait3A_867, %dma_wait3A_868] : memref<16x50x32xf32, #tpu.memory_space<vmem>> -> memref<1x50x32xf32, #tpu.memory_space<vmem>>
      %dma_wait3A_870 = tpu.memref_squeeze %dma_wait3A_869 : memref<1x50x32xf32, #tpu.memory_space<vmem>> -> memref<50x32xf32, #tpu.memory_space<vmem>>
      %dma_wait3A_871 = arith.constant 0 : i32
      %dma_wait3A_872 = arith.constant 0 : i32
      %dma_wait3A_873 = tpu.memref_slice %arg4[%add3A_575, %dma_wait3A_871, %dma_wait3A_872] : memref<16384x50x32xf32, #tpu.memory_space<hbm>> -> memref<1x50x32xf32, #tpu.memory_space<hbm>>
      %dma_wait3A_874 = tpu.memref_squeeze %dma_wait3A_873 : memref<1x50x32xf32, #tpu.memory_space<hbm>> -> memref<50x32xf32, #tpu.memory_space<hbm>>
      %dma_wait3A_875 = arith.constant 0 : i32
      %dma_wait3A_876 = arith.constant 0 : i32
      %dma_wait3A_877 = tpu.memref_slice %arg4[%add3A_575, %dma_wait3A_875, %dma_wait3A_876] : memref<16384x50x32xf32, #tpu.memory_space<hbm>> -> memref<1x50x32xf32, #tpu.memory_space<hbm>>
      %dma_wait3A_878 = tpu.memref_squeeze %dma_wait3A_877 : memref<1x50x32xf32, #tpu.memory_space<hbm>> -> memref<50x32xf32, #tpu.memory_space<hbm>>
      %dma_wait3A_879 = arith.constant 0 : i32
      %dma_wait3A_880 = arith.constant 0 : i32
      %dma_wait3A_881 = tpu.memref_slice %arg6[%dma_wait3A_866, %dma_wait3A_879, %dma_wait3A_880] : memref<16x50x32xf32, #tpu.memory_space<vmem>> -> memref<1x50x32xf32, #tpu.memory_space<vmem>>
      %dma_wait3A_882 = tpu.memref_squeeze %dma_wait3A_881 : memref<1x50x32xf32, #tpu.memory_space<vmem>> -> memref<50x32xf32, #tpu.memory_space<vmem>>
      tpu.wait_dma2 semaphore(%arg8 : memref<!tpu.dma_semaphore, #tpu.memory_space<semaphore_mem>>) src(%dma_wait3A_882 : memref<50x32xf32, #tpu.memory_space<vmem>>) dst(%dma_wait3A_878 : memref<50x32xf32, #tpu.memory_space<hbm>>)
      %dma_wait3A_883 = arith.constant 10 : i32
      %dma_wait3A_884 = arith.constant 0 : i32
      %dma_wait3A_885 = arith.constant 0 : i32
      %dma_wait3A_886 = tpu.memref_slice %arg6[%dma_wait3A_883, %dma_wait3A_884, %dma_wait3A_885] : memref<16x50x32xf32, #tpu.memory_space<vmem>> -> memref<1x50x32xf32, #tpu.memory_space<vmem>>
      %dma_wait3A_887 = tpu.memref_squeeze %dma_wait3A_886 : memref<1x50x32xf32, #tpu.memory_space<vmem>> -> memref<50x32xf32, #tpu.memory_space<vmem>>
      %dma_wait3A_888 = arith.constant 0 : i32
      %dma_wait3A_889 = arith.constant 0 : i32
      %dma_wait3A_890 = tpu.memref_slice %arg4[%add3A_595, %dma_wait3A_888, %dma_wait3A_889] : memref<16384x50x32xf32, #tpu.memory_space<hbm>> -> memref<1x50x32xf32, #tpu.memory_space<hbm>>
      %dma_wait3A_891 = tpu.memref_squeeze %dma_wait3A_890 : memref<1x50x32xf32, #tpu.memory_space<hbm>> -> memref<50x32xf32, #tpu.memory_space<hbm>>
      %dma_wait3A_892 = arith.constant 0 : i32
      %dma_wait3A_893 = arith.constant 0 : i32
      %dma_wait3A_894 = tpu.memref_slice %arg4[%add3A_595, %dma_wait3A_892, %dma_wait3A_893] : memref<16384x50x32xf32, #tpu.memory_space<hbm>> -> memref<1x50x32xf32, #tpu.memory_space<hbm>>
      %dma_wait3A_895 = tpu.memref_squeeze %dma_wait3A_894 : memref<1x50x32xf32, #tpu.memory_space<hbm>> -> memref<50x32xf32, #tpu.memory_space<hbm>>
      %dma_wait3A_896 = arith.constant 0 : i32
      %dma_wait3A_897 = arith.constant 0 : i32
      %dma_wait3A_898 = tpu.memref_slice %arg6[%dma_wait3A_883, %dma_wait3A_896, %dma_wait3A_897] : memref<16x50x32xf32, #tpu.memory_space<vmem>> -> memref<1x50x32xf32, #tpu.memory_space<vmem>>
      %dma_wait3A_899 = tpu.memref_squeeze %dma_wait3A_898 : memref<1x50x32xf32, #tpu.memory_space<vmem>> -> memref<50x32xf32, #tpu.memory_space<vmem>>
      tpu.wait_dma2 semaphore(%arg8 : memref<!tpu.dma_semaphore, #tpu.memory_space<semaphore_mem>>) src(%dma_wait3A_899 : memref<50x32xf32, #tpu.memory_space<vmem>>) dst(%dma_wait3A_895 : memref<50x32xf32, #tpu.memory_space<hbm>>)
      %dma_wait3A_900 = arith.constant 11 : i32
      %dma_wait3A_901 = arith.constant 0 : i32
      %dma_wait3A_902 = arith.constant 0 : i32
      %dma_wait3A_903 = tpu.memref_slice %arg6[%dma_wait3A_900, %dma_wait3A_901, %dma_wait3A_902] : memref<16x50x32xf32, #tpu.memory_space<vmem>> -> memref<1x50x32xf32, #tpu.memory_space<vmem>>
      %dma_wait3A_904 = tpu.memref_squeeze %dma_wait3A_903 : memref<1x50x32xf32, #tpu.memory_space<vmem>> -> memref<50x32xf32, #tpu.memory_space<vmem>>
      %dma_wait3A_905 = arith.constant 0 : i32
      %dma_wait3A_906 = arith.constant 0 : i32
      %dma_wait3A_907 = tpu.memref_slice %arg4[%add3A_615, %dma_wait3A_905, %dma_wait3A_906] : memref<16384x50x32xf32, #tpu.memory_space<hbm>> -> memref<1x50x32xf32, #tpu.memory_space<hbm>>
      %dma_wait3A_908 = tpu.memref_squeeze %dma_wait3A_907 : memref<1x50x32xf32, #tpu.memory_space<hbm>> -> memref<50x32xf32, #tpu.memory_space<hbm>>
      %dma_wait3A_909 = arith.constant 0 : i32
      %dma_wait3A_910 = arith.constant 0 : i32
      %dma_wait3A_911 = tpu.memref_slice %arg4[%add3A_615, %dma_wait3A_909, %dma_wait3A_910] : memref<16384x50x32xf32, #tpu.memory_space<hbm>> -> memref<1x50x32xf32, #tpu.memory_space<hbm>>
      %dma_wait3A_912 = tpu.memref_squeeze %dma_wait3A_911 : memref<1x50x32xf32, #tpu.memory_space<hbm>> -> memref<50x32xf32, #tpu.memory_space<hbm>>
      %dma_wait3A_913 = arith.constant 0 : i32
      %dma_wait3A_914 = arith.constant 0 : i32
      %dma_wait3A_915 = tpu.memref_slice %arg6[%dma_wait3A_900, %dma_wait3A_913, %dma_wait3A_914] : memref<16x50x32xf32, #tpu.memory_space<vmem>> -> memref<1x50x32xf32, #tpu.memory_space<vmem>>
      %dma_wait3A_916 = tpu.memref_squeeze %dma_wait3A_915 : memref<1x50x32xf32, #tpu.memory_space<vmem>> -> memref<50x32xf32, #tpu.memory_space<vmem>>
      tpu.wait_dma2 semaphore(%arg8 : memref<!tpu.dma_semaphore, #tpu.memory_space<semaphore_mem>>) src(%dma_wait3A_916 : memref<50x32xf32, #tpu.memory_space<vmem>>) dst(%dma_wait3A_912 : memref<50x32xf32, #tpu.memory_space<hbm>>)
      %dma_wait3A_917 = arith.constant 12 : i32
      %dma_wait3A_918 = arith.constant 0 : i32
      %dma_wait3A_919 = arith.constant 0 : i32
      %dma_wait3A_920 = tpu.memref_slice %arg6[%dma_wait3A_917, %dma_wait3A_918, %dma_wait3A_919] : memref<16x50x32xf32, #tpu.memory_space<vmem>> -> memref<1x50x32xf32, #tpu.memory_space<vmem>>
      %dma_wait3A_921 = tpu.memref_squeeze %dma_wait3A_920 : memref<1x50x32xf32, #tpu.memory_space<vmem>> -> memref<50x32xf32, #tpu.memory_space<vmem>>
      %dma_wait3A_922 = arith.constant 0 : i32
      %dma_wait3A_923 = arith.constant 0 : i32
      %dma_wait3A_924 = tpu.memref_slice %arg4[%add3A_635, %dma_wait3A_922, %dma_wait3A_923] : memref<16384x50x32xf32, #tpu.memory_space<hbm>> -> memref<1x50x32xf32, #tpu.memory_space<hbm>>
      %dma_wait3A_925 = tpu.memref_squeeze %dma_wait3A_924 : memref<1x50x32xf32, #tpu.memory_space<hbm>> -> memref<50x32xf32, #tpu.memory_space<hbm>>
      %dma_wait3A_926 = arith.constant 0 : i32
      %dma_wait3A_927 = arith.constant 0 : i32
      %dma_wait3A_928 = tpu.memref_slice %arg4[%add3A_635, %dma_wait3A_926, %dma_wait3A_927] : memref<16384x50x32xf32, #tpu.memory_space<hbm>> -> memref<1x50x32xf32, #tpu.memory_space<hbm>>
      %dma_wait3A_929 = tpu.memref_squeeze %dma_wait3A_928 : memref<1x50x32xf32, #tpu.memory_space<hbm>> -> memref<50x32xf32, #tpu.memory_space<hbm>>
      %dma_wait3A_930 = arith.constant 0 : i32
      %dma_wait3A_931 = arith.constant 0 : i32
      %dma_wait3A_932 = tpu.memref_slice %arg6[%dma_wait3A_917, %dma_wait3A_930, %dma_wait3A_931] : memref<16x50x32xf32, #tpu.memory_space<vmem>> -> memref<1x50x32xf32, #tpu.memory_space<vmem>>
      %dma_wait3A_933 = tpu.memref_squeeze %dma_wait3A_932 : memref<1x50x32xf32, #tpu.memory_space<vmem>> -> memref<50x32xf32, #tpu.memory_space<vmem>>
      tpu.wait_dma2 semaphore(%arg8 : memref<!tpu.dma_semaphore, #tpu.memory_space<semaphore_mem>>) src(%dma_wait3A_933 : memref<50x32xf32, #tpu.memory_space<vmem>>) dst(%dma_wait3A_929 : memref<50x32xf32, #tpu.memory_space<hbm>>)
      %dma_wait3A_934 = arith.constant 13 : i32
      %dma_wait3A_935 = arith.constant 0 : i32
      %dma_wait3A_936 = arith.constant 0 : i32
      %dma_wait3A_937 = tpu.memref_slice %arg6[%dma_wait3A_934, %dma_wait3A_935, %dma_wait3A_936] : memref<16x50x32xf32, #tpu.memory_space<vmem>> -> memref<1x50x32xf32, #tpu.memory_space<vmem>>
      %dma_wait3A_938 = tpu.memref_squeeze %dma_wait3A_937 : memref<1x50x32xf32, #tpu.memory_space<vmem>> -> memref<50x32xf32, #tpu.memory_space<vmem>>
      %dma_wait3A_939 = arith.constant 0 : i32
      %dma_wait3A_940 = arith.constant 0 : i32
      %dma_wait3A_941 = tpu.memref_slice %arg4[%add3A_655, %dma_wait3A_939, %dma_wait3A_940] : memref<16384x50x32xf32, #tpu.memory_space<hbm>> -> memref<1x50x32xf32, #tpu.memory_space<hbm>>
      %dma_wait3A_942 = tpu.memref_squeeze %dma_wait3A_941 : memref<1x50x32xf32, #tpu.memory_space<hbm>> -> memref<50x32xf32, #tpu.memory_space<hbm>>
      %dma_wait3A_943 = arith.constant 0 : i32
      %dma_wait3A_944 = arith.constant 0 : i32
      %dma_wait3A_945 = tpu.memref_slice %arg4[%add3A_655, %dma_wait3A_943, %dma_wait3A_944] : memref<16384x50x32xf32, #tpu.memory_space<hbm>> -> memref<1x50x32xf32, #tpu.memory_space<hbm>>
      %dma_wait3A_946 = tpu.memref_squeeze %dma_wait3A_945 : memref<1x50x32xf32, #tpu.memory_space<hbm>> -> memref<50x32xf32, #tpu.memory_space<hbm>>
      %dma_wait3A_947 = arith.constant 0 : i32
      %dma_wait3A_948 = arith.constant 0 : i32
      %dma_wait3A_949 = tpu.memref_slice %arg6[%dma_wait3A_934, %dma_wait3A_947, %dma_wait3A_948] : memref<16x50x32xf32, #tpu.memory_space<vmem>> -> memref<1x50x32xf32, #tpu.memory_space<vmem>>
      %dma_wait3A_950 = tpu.memref_squeeze %dma_wait3A_949 : memref<1x50x32xf32, #tpu.memory_space<vmem>> -> memref<50x32xf32, #tpu.memory_space<vmem>>
      tpu.wait_dma2 semaphore(%arg8 : memref<!tpu.dma_semaphore, #tpu.memory_space<semaphore_mem>>) src(%dma_wait3A_950 : memref<50x32xf32, #tpu.memory_space<vmem>>) dst(%dma_wait3A_946 : memref<50x32xf32, #tpu.memory_space<hbm>>)
      %dma_wait3A_951 = arith.constant 14 : i32
      %dma_wait3A_952 = arith.constant 0 : i32
      %dma_wait3A_953 = arith.constant 0 : i32
      %dma_wait3A_954 = tpu.memref_slice %arg6[%dma_wait3A_951, %dma_wait3A_952, %dma_wait3A_953] : memref<16x50x32xf32, #tpu.memory_space<vmem>> -> memref<1x50x32xf32, #tpu.memory_space<vmem>>
      %dma_wait3A_955 = tpu.memref_squeeze %dma_wait3A_954 : memref<1x50x32xf32, #tpu.memory_space<vmem>> -> memref<50x32xf32, #tpu.memory_space<vmem>>
      %dma_wait3A_956 = arith.constant 0 : i32
      %dma_wait3A_957 = arith.constant 0 : i32
      %dma_wait3A_958 = tpu.memref_slice %arg4[%add3A_675, %dma_wait3A_956, %dma_wait3A_957] : memref<16384x50x32xf32, #tpu.memory_space<hbm>> -> memref<1x50x32xf32, #tpu.memory_space<hbm>>
      %dma_wait3A_959 = tpu.memref_squeeze %dma_wait3A_958 : memref<1x50x32xf32, #tpu.memory_space<hbm>> -> memref<50x32xf32, #tpu.memory_space<hbm>>
      %dma_wait3A_960 = arith.constant 0 : i32
      %dma_wait3A_961 = arith.constant 0 : i32
      %dma_wait3A_962 = tpu.memref_slice %arg4[%add3A_675, %dma_wait3A_960, %dma_wait3A_961] : memref<16384x50x32xf32, #tpu.memory_space<hbm>> -> memref<1x50x32xf32, #tpu.memory_space<hbm>>
      %dma_wait3A_963 = tpu.memref_squeeze %dma_wait3A_962 : memref<1x50x32xf32, #tpu.memory_space<hbm>> -> memref<50x32xf32, #tpu.memory_space<hbm>>
      %dma_wait3A_964 = arith.constant 0 : i32
      %dma_wait3A_965 = arith.constant 0 : i32
      %dma_wait3A_966 = tpu.memref_slice %arg6[%dma_wait3A_951, %dma_wait3A_964, %dma_wait3A_965] : memref<16x50x32xf32, #tpu.memory_space<vmem>> -> memref<1x50x32xf32, #tpu.memory_space<vmem>>
      %dma_wait3A_967 = tpu.memref_squeeze %dma_wait3A_966 : memref<1x50x32xf32, #tpu.memory_space<vmem>> -> memref<50x32xf32, #tpu.memory_space<vmem>>
      tpu.wait_dma2 semaphore(%arg8 : memref<!tpu.dma_semaphore, #tpu.memory_space<semaphore_mem>>) src(%dma_wait3A_967 : memref<50x32xf32, #tpu.memory_space<vmem>>) dst(%dma_wait3A_963 : memref<50x32xf32, #tpu.memory_space<hbm>>)
      %dma_wait3A_968 = arith.constant 15 : i32
      %dma_wait3A_969 = arith.constant 0 : i32
      %dma_wait3A_970 = arith.constant 0 : i32
      %dma_wait3A_971 = tpu.memref_slice %arg6[%dma_wait3A_968, %dma_wait3A_969, %dma_wait3A_970] : memref<16x50x32xf32, #tpu.memory_space<vmem>> -> memref<1x50x32xf32, #tpu.memory_space<vmem>>
      %dma_wait3A_972 = tpu.memref_squeeze %dma_wait3A_971 : memref<1x50x32xf32, #tpu.memory_space<vmem>> -> memref<50x32xf32, #tpu.memory_space<vmem>>
      %dma_wait3A_973 = arith.constant 0 : i32
      %dma_wait3A_974 = arith.constant 0 : i32
      %dma_wait3A_975 = tpu.memref_slice %arg4[%add3A_695, %dma_wait3A_973, %dma_wait3A_974] : memref<16384x50x32xf32, #tpu.memory_space<hbm>> -> memref<1x50x32xf32, #tpu.memory_space<hbm>>
      %dma_wait3A_976 = tpu.memref_squeeze %dma_wait3A_975 : memref<1x50x32xf32, #tpu.memory_space<hbm>> -> memref<50x32xf32, #tpu.memory_space<hbm>>
      %dma_wait3A_977 = arith.constant 0 : i32
      %dma_wait3A_978 = arith.constant 0 : i32
      %dma_wait3A_979 = tpu.memref_slice %arg4[%add3A_695, %dma_wait3A_977, %dma_wait3A_978] : memref<16384x50x32xf32, #tpu.memory_space<hbm>> -> memref<1x50x32xf32, #tpu.memory_space<hbm>>
      %dma_wait3A_980 = tpu.memref_squeeze %dma_wait3A_979 : memref<1x50x32xf32, #tpu.memory_space<hbm>> -> memref<50x32xf32, #tpu.memory_space<hbm>>
      %dma_wait3A_981 = arith.constant 0 : i32
      %dma_wait3A_982 = arith.constant 0 : i32
      %dma_wait3A_983 = tpu.memref_slice %arg6[%dma_wait3A_968, %dma_wait3A_981, %dma_wait3A_982] : memref<16x50x32xf32, #tpu.memory_space<vmem>> -> memref<1x50x32xf32, #tpu.memory_space<vmem>>
      %dma_wait3A_984 = tpu.memref_squeeze %dma_wait3A_983 : memref<1x50x32xf32, #tpu.memory_space<vmem>> -> memref<50x32xf32, #tpu.memory_space<vmem>>
      tpu.wait_dma2 semaphore(%arg8 : memref<!tpu.dma_semaphore, #tpu.memory_space<semaphore_mem>>) src(%dma_wait3A_984 : memref<50x32xf32, #tpu.memory_space<vmem>>) dst(%dma_wait3A_980 : memref<50x32xf32, #tpu.memory_space<hbm>>)
    }
    %scan3A_7 = arith.constant 32 : i32
    return
  }
}

</mosaic_0001>

<sc_bundles>
// kernel: _gather_sc.3.cloned.1.call-start
scs
__scs_entry_jumppad:
0x0: {  	(pc) =	sbr.rel $0x88, $3  }
0x1: {  	(tag) =	ssettag $0x0;
	lr =	simm.s32 $0x1  }
0x2: {  	[smem:$0x3F9F] =	sst lr;
	_ =	strace $0xD0000000  }
0x3: {  	_ = 	snop  }
0x4: {  	_ = 	snop  }
0x5: {  	_ = 	snop  }
0x6: {  	_ = 	snop  }
0x7: {  	_ = 	snop  }
__scs_overlays_trampoline_lowered:
0x8: {  	[smem:$0x3FAE] =	sst s0  }
0x9: {  	[smem:$0x3FAF] =	sst s1  }
0xa: {  	[smem:$0x3FB0] =	sst s2  }
0xb: {  	[smem:$0x3FB1] =	sst s3  }
0xc: {  	[smem:$0x3FB2] =	sst s4  }
0xd: {  	[smem:$0x3FB3] =	sst s5  }
0xe: {  	[smem:$0x3FB4] =	sst s6  }
0xf: {  	[smem:$0x3FB5] =	sst s7  }
0x10: {  	[smem:$0x3FB6] =	sst s8  }
0x11: {  	[smem:$0x3FB7] =	sst s9;
	s0 =	simm.s32 @!p0 $0x0  }
0x12: {  	s1 =	sld [smem:$0x3F9D];
	s0 =	simm.s32 @p0 $0x1  }
0x13: {  	[smem:$0x3FB8] =	sst s0;
	s0 =	simm.s32 @!p1 $0x0  }
0x14: {  	s2 =	sld [smem:$0x3F9C];
	s0 =	simm.s32 @p1 $0x1  }
0x15: {  	[smem:$0x3FB9] =	sst s0;
	s0 =	simm.s32 @!p2 $0x0  }
0x16: {  	s3 =	sld [smem:$0x3FDB];
	s0 =	simm.s32 @p2 $0x1  }
0x17: {  	s4 =	simm.s32 $0x1BF5;
	[smem:$0x3FBB] =	sst s0  }
0x18: {  	s0 =	sld [smem:$0x3F9E];
	_ =	swait.ge [sflag:s4], $0x0  }
0x19: {  	s7 =	sld [smem:$0x3F9F]  }
0x1a: {  	s8 =	sadd.s32 $0xFFFFE003, lr  }
0x1b: {  	s9 =	sadd.s32 $0xFFFFFEF7, lr;
	s5 =	simm.s32 $0xFFFFFFFF;
	p2 =	slt.u32 s8, $0xFFFFF086  }
0x1c: {  	p1 =	slt.u32 s9, $0xF7A;
	s5 =	simm.s32 @!p2 $0x0  }
0x1d: {  	s5 =	simm.s32 @p1 $0x1;
	p0 =	seq.s32 s7, s2  }
0x1e: {  	s7 =	smul.u32 @!p0 $0xF7A, s2;
	p2 =	seq.s32 @!p0 s5, $0x0  }
0x1f: {  	s9 =	smul.u32 $0xF7A, s1;
	s8 =	simm.s32 @!p0 $0x1BF5;
	p2 =	por !p2, p0  }
0x20: {  	[sflag:s8] =	ssyncset.s32 @!p0 $0xFFFFF086;
	s6 =	sadd.s32 @!p0 s3, s7;
	s7 =	simm.s32 @!p0 $0x108  }
0x21: {  	s3 =	sadd.s32 s3, s9;
	s6 =	sadd.s32 @!p0 $0x88, s6;
	s7 =	simm.s32 @p2 $0x1082  }
0x22: {  	[simem:s7], [sflag:s8] =	dma.local @!p0 [hbm:s6], $0xF7A  }
0x23: {  	s9 =	sor.u32 $0xD0000000, s2;
	s6 =	simm.s32 $0x108;
	_ =	swait.ge @!p0 [sflag:s8], $0x0  }
0x24: {  	s3 =	sadd.s32 $0x88, s3;
	s6 =	simm.s32 @!p1 $0x1082;
	[sflag:s4] =	ssyncset.s32 $0xFFFFF086  }
0x25: {  	[simem:s6], [sflag:s4] =	dma.local [hbm:s3], $0xF7A  }
0x26: {  	[smem:$0x3F9F] =	sst s1;
	(tag) =	ssettag s2;
	_ =	strace s9  }
0x27: {  	s1 =	sld [smem:$0x3FAF]  }
0x28: {  	s2 =	sld [smem:$0x3FB0]  }
0x29: {  	s4 =	sld [smem:$0x3FB2]  }
0x2a: {  	p0 =	seq.s32 s5, $0x0;
	s5 =	sld [smem:$0x3FB3]  }
0x2b: {  	s6 =	sld [smem:$0x3FB4]  }
0x2c: {  	s7 =	sld [smem:$0x3FB5]  }
0x2d: {  	s3 =	simm.s32 $0x108;
	s8 =	sld [smem:$0x3FB6]  }
0x2e: {  	s3 =	simm.s32 @!p0 $0x1082;
	s9 =	sld [smem:$0x3FB7]  }
0x2f: {  	lr =	sadd.s32 s0, s3;
	s0 =	sld [smem:$0x3FAE]  }
0x30: {  	s3 =	sld [smem:$0x3FB1]  }
0x31: {  	[smem:$0x3FBA] =	sst s10  }
0x32: {  	s10 =	sld [smem:$0x3FB8];
	_ =	sdelay $0x3  }
0x33: {  	p0 =	seq.s32 s10, $0x1;
	s10 =	sld [smem:$0x3FBA];
	_ =	sdelay $0x3  }
0x34: {  	[smem:$0x3FBA] =	sst s10  }
0x35: {  	s10 =	sld [smem:$0x3FB9];
	_ =	sdelay $0x3  }
0x36: {  	p1 =	seq.s32 s10, $0x1;
	s10 =	sld [smem:$0x3FBA];
	_ =	sdelay $0x3  }
0x37: {  	[smem:$0x3FBA] =	sst s10  }
0x38: {  	s10 =	sld [smem:$0x3FBB]  }
0x39: {  	_ = 	snop;
	(pc) =	sbr.ind lr, $3  }
0x3a: {  	_ = 	snop  }
0x3b: {  	_ = 	snop  }
0x3c: {  	p2 =	seq.s32 s10, $0x1;
	s10 =	sld [smem:$0x3FBA]  }
0x3d: {  	_ =	shalt  }
0x3e: {  	_ =	shalt  }
0x3f: {  	_ =	shalt  }
0x40: {  	_ =	shalt  }
0x41: {  	_ =	shalt  }
0x42: {  	_ =	shalt  }
0x43: {  	_ =	shalt  }
0x44: {  	_ =	shalt  }
0x45: {  	_ =	shalt  }
0x46: {  	_ =	shalt  }
0x47: {  	_ =	shalt  }
0x48: {  	_ =	shalt  }
0x49: {  	_ =	shalt  }
0x4a: {  	_ =	shalt  }
0x4b: {  	_ =	shalt  }
0x4c: {  	_ =	shalt  }
0x4d: {  	_ =	shalt  }
0x4e: {  	_ =	shalt  }
0x4f: {  	_ =	shalt  }
0x50: {  	_ =	shalt  }
0x51: {  	_ =	shalt  }
0x52: {  	_ =	shalt  }
0x53: {  	_ =	shalt  }
0x54: {  	_ =	shalt  }
0x55: {  	_ =	shalt  }
0x56: {  	_ =	shalt  }
0x57: {  	_ =	shalt  }
0x58: {  	_ =	shalt  }
0x59: {  	_ =	shalt  }
0x5a: {  	_ =	shalt  }
0x5b: {  	_ =	shalt  }
0x5c: {  	_ =	shalt  }
0x5d: {  	_ =	shalt  }
0x5e: {  	_ =	shalt  }
0x5f: {  	_ =	shalt  }
0x60: {  	_ =	shalt  }
0x61: {  	_ =	shalt  }
0x62: {  	_ =	shalt  }
0x63: {  	_ =	shalt  }
0x64: {  	_ =	shalt  }
0x65: {  	_ =	shalt  }
0x66: {  	_ =	shalt  }
0x67: {  	_ =	shalt  }
0x68: {  	_ =	shalt  }
0x69: {  	_ =	shalt  }
0x6a: {  	_ =	shalt  }
0x6b: {  	_ =	shalt  }
0x6c: {  	_ =	shalt  }
0x6d: {  	_ =	shalt  }
0x6e: {  	_ =	shalt  }
0x6f: {  	_ =	shalt  }
0x70: {  	_ =	shalt  }
0x71: {  	_ =	shalt  }
0x72: {  	_ =	shalt  }
0x73: {  	_ =	shalt  }
0x74: {  	_ =	shalt  }
0x75: {  	_ =	shalt  }
0x76: {  	_ =	shalt  }
0x77: {  	_ =	shalt  }
0x78: {  	_ =	shalt  }
0x79: {  	_ =	shalt  }
0x7a: {  	_ =	shalt  }
0x7b: {  	_ =	shalt  }
0x7c: {  	_ =	shalt  }
0x7d: {  	_ =	shalt  }
0x7e: {  	_ =	shalt  }
0x7f: {  	_ =	shalt  }
0x80: {  	_ =	shalt  }
0x81: {  	_ =	shalt  }
0x82: {  	_ =	shalt  }
0x83: {  	_ =	shalt  }
0x84: {  	_ =	shalt  }
0x85: {  	_ =	shalt  }
0x86: {  	_ =	shalt  }
0x87: {  	_ =	shalt  }
.Lfunc_end0:
.L_simem_size_0:
called_computation.1_lowered:
.L_overlay_start_0:
0x88: {  	s2 =	sld [smem:$0x3FD9]  }
0x89: {  	s3 =	sld [smem:$0x3FFE];
	_ =	sdelay $0x1  }
0x8a: {  	s1 =	srdreg.scid  }
0x8b: {  	s0 =	sand.u32 $0x1, s1  }
0x8c: {  	s17 =	sshll.u32 s0, $0xA;
	s2 =	sadd.s32 s3, s2  }
0x8d: {  	s2 =	sadd.s32 s2, s17  }
0x8e: {  	[smem:$0x3FC6] =	sst s2  }
0x8f: {  	_ = 	snop  }
0x90: {  	s2 =	sld [smem:$0x3FD0];
	(tm) =	ssettm $0x1  }
0x91: {  	s18 =	sld [smem:$0x3FFB];
	_ =	sdelay $0x3  }
0x92: {  	_ =	strace s18  }
0x93: {  	s3 =	sld [smem:$0x3FFC];
	_ =	sdelay $0x3  }
0x94: {  	_ =	strace s3  }
0x95: {  	s3 =	sld [smem:$0x3FFD];
	_ =	sdelay $0x3  }
0x96: {  	_ =	strace s3  }
0x97: {  	_ =	strace $0x8FFFFFFF  }
0x98: {  	s19 =	sld [smem:$0x3FDB];
	_ =	sdelay $0x1  }
0x99: {  	s4 =	simm.s32 $_scs_section_size  }
0x9a: {  	s5 =	simm.s32 $_size__tile_overlayer_lowered;
	s6 =	simm.s32 $_tile_overlayer_lowered  }
0x9b: {  	s22 =	simm.s32 $0x1BFF;
	s21 =	sshll.u32 s6, $0x1;
	s3 =	sadd.s32 s4, s19  }
0x9c: {  	s7 =	simm.s32 $0x0;
	s20 =	sshll.u32 s5, $0x1;
	s5 =	sadd.s32 s21, s3  }
0x9d: {  	[timem:s7], [sflag:s22] =	dma.local [hbm:s5], s20  }
0x9e: {  	_ =	swait.ge [sflag:s22], s20  }
0x9f: {  	s4 =	ssub.s32 $0x0, s20;
	[sflag:s22] =	ssyncset.done $0x0  }
0xa0: {  	[sflag:s22] =	ssyncadd.s32 s4;
	_ =	sdelay $0x1  }
0xa1: {  	s23 =	simm.s32 $0x1B8B  }
0xa2: {  	_ =	swait.ge [sflag:s23], $0x1  }
0xa3: {  	[sflag:s23] =	ssyncset.done $0x0  }
0xa4: {  	s25 =	simm.s32 $0x1B8E;
	s24 =	sld [smem:$0x3FFE];
	[sflag:s23] =	ssyncadd.s32 $0xFFFFFFFF  }
0xa5: {  	s26 =	simm.s32 $execute0_lowered;
	[smem:$0x3FD2] =	sst s25  }
0xa6: {  	s5 =	sshll.u32 s26, $0x1;
	_ =	strace $0x80000046;
	[dreg:$0x1] =	wrdreg $0xFFFFFFFF  }
0xa7: {  	s28 =	simm.s32 $_size_execute0_lowered;
	s3 =	sadd.s32 s3, s5;
	[dreg:$0x0] =	wrdreg $0x0  }
0xa8: {  	s5 =	sshll.u32 s28, $0x1;
	[dreg:$0x2] =	wrdreg s3  }
0xa9: {  	[dreg:$0x3] =	wrdreg s5  }
0xaa: {  	[dreg:$0x4] =	wrdreg $0xC0  }
0xab: {  	_ =	task [dreg:s7], $0x5FFFF  }
0xac: {  	[dreg:$0x1] =	wrdreg $0xFFFFFFFF  }
0xad: {  	[dreg:$0x0] =	wrdreg $0x60  }
0xae: {  	[dreg:$0x2] =	wrdreg s24  }
0xaf: {  	[dreg:$0x3] =	wrdreg s2  }
0xb0: {  	[dreg:$0x4] =	wrdreg $0x9  }
0xb1: {  	_ =	task.clear_ibuf [dreg:s7], $0x5FFFF;
	_ =	strace $0x90000046  }
0xb2: {  	s29 =	simm.s32 $0x9;
	_ =	strace $0x80000048  }
0xb3: {  	_ =	swait.ge [sflag:s29], $0x1  }
0xb4: {  	[sflag:s29] =	ssyncadd.s32 $0xFFFFFFFF  }
0xb5: {  	_ =	strace $0x90000048  }
0xb6: {  	_ =	sfence  }
0xb7: {  	s30 =	sld [smem:$0x0];
	_ =	sdelay $0x2  }
0xb8: {  	s31 =	sshll.u32 s1, $0xD;
	s1 =	sshrl.u32 s1, $0x2  }
0xb9: {  	s3 =	sand.u32 $0x4000, s31;
	s1 =	sadd.s32 s1, s30  }
0xba: {  	s0 =	sor.u32 s3, s0;
	s1 =	sshll.u32 s1, $0x11  }
0xbb: {  	s0 =	sor.u32 s1, s0  }
0xbc: {  	s0 =	sadd.s32 $0x8F2B, s0  }
0xbd: {  	[sflag:s0] =	ssyncadd.remote.s32 $0x1  }
0xbe: {  	_ =	sfence.sel $0xFFFF  }
0xbf: {  	[dreg:$0x0] =	wrdreg $0xFFFFFFFF;
	(pc) =	sbr.abs _section_cstart, $3  }
0xc0: {  	[dreg:$0x1] =	wrdreg $0xFFFFFFFF  }
0xc1: {  	_ =	task.clear_ibuf [dreg:s7], $0x2FFFF;
	_ =	strace $0x9FFFFFFF  }
0xc2: {  	(tm) =	ssettm $0x7FFFFFFF  }
0xc3: {  	_ =	shalt  }
tec
execute0_lowered:
.L_overlay_start_1:
0x0: {  	(tag) =	ssettag $0x1  }
0x1: {  	s0 =	srdreg.scid  }
0x2: {  	s1 =	rddreg [dreg:$0x0];
	s9 =	stileid.u32  }
0x3: {  	s2 =	rddreg [dreg:$0x1];
	s0 =	sand.u32 $0x1, s0;
	s5 =	smul.u32 $0x190000, s9  }
0x4: {  	s3 =	sshll.u32 s9, $0xA;
	s4 =	sshll.u32 s0, $0x9;
	s6 =	smul.u32 $0xC8000, s0  }
0x5: {  	s28 =	simm.s32 $0x0;
	s4 =	sor.u32 s4, s3;
	s3 =	simm.s32 $0x0  }
0x6: {  	s4 =	smul.u32 $0x7, s4;
	[smem:$0x7FF] =	sst s3;
	s5 =	sadd.s32 s6, s5  }
0x7: {  	_ =	strace $0x80000047;
	s7 =	sor.u32 $0x5DC0, s5;
	s23 =	sor.u32 $0x5780, s5  }
0x8: {  	s25 =	sor.u32 $0x5140, s5;
	s29 =	sor.u32 $0x4B00, s5;
	s31 =	sor.u32 $0x44C0, s5  }
0x9: {  	s8 =	sor.u32 $0x3E80, s5;
	s11 =	sor.u32 $0x3840, s5;
	s13 =	sor.u32 $0x3200, s5  }
0xa: {  	s15 =	sor.u32 $0x2BC0, s5;
	s17 =	sor.u32 $0x2580, s5;
	s19 =	sor.u32 $0x1F40, s5  }
0xb: {  	s21 =	sor.u32 $0x1900, s5;
	s6 =	sadd.s32 s4, s1;
	s22 =	sshrl.u32 s7, $0x3  }
0xc: {  	s4 =	sadd.s32 $0xF42E00, s1;
	s24 =	sshrl.u32 s23, $0x3;
	[dreg:$0x3] =	wrdreg s22  }
0xd: {  	s26 =	sshrl.u32 s25, $0x3;
	s30 =	sshrl.u32 s29, $0x3;
	[dreg:$0x4] =	wrdreg s24  }
0xe: {  	s7 =	sshrl.u32 s31, $0x3;
	s10 =	sshrl.u32 s8, $0x3;
	[dreg:$0x5] =	wrdreg s26  }
0xf: {  	s12 =	sshrl.u32 s11, $0x3;
	s14 =	sshrl.u32 s13, $0x3;
	[dreg:$0x6] =	wrdreg s30  }
0x10: {  	s16 =	sshrl.u32 s15, $0x3;
	s18 =	sshrl.u32 s17, $0x3;
	[dreg:$0x7] =	wrdreg s7  }
0x11: {  	s20 =	sshrl.u32 s19, $0x3;
	s23 =	sor.u32 $0x12C0, s5;
	[dreg:$0x8] =	wrdreg s10  }
0x12: {  	s8 =	ssub.s32 $0x2, s0;
	s25 =	sor.u32 $0xC80, s5;
	[dreg:$0x9] =	wrdreg s12  }
0x13: {  	s5 =	sor.u32 $0x640, s5;
	s0 =	smul.u32 $0x19000, s0;
	[dreg:$0xa] =	wrdreg s14  }
0x14: {  	s11 =	simm.s32 $0x7C80;
	s13 =	simm.s32 $0x8900;
	[dreg:$0xb] =	wrdreg s16  }
0x15: {  	s15 =	simm.s32 $0x9580;
	s17 =	simm.s32 $0xA200;
	[dreg:$0xc] =	wrdreg s18  }
0x16: {  	s19 =	simm.s32 $0xAE80;
	[dreg:$0xd] =	wrdreg s20;
	s22 =	sshrl.u32 s21, $0x3  }
0x17: {  	s24 =	sshrl.u32 s23, $0x3;
	s26 =	smul.u32 $0x32000, s9;
	s1 =	sshrl.u32 s25, $0x3  }
0x18: {  	s29 =	sshrl.u32 s8, $0x1;
	s30 =	sshrl.u32 s5, $0x3;
	s31 =	sadd.s32 $0xA00, s6  }
0x19: {  	s7 =	simm.s32 $0x3;
	s9 =	simm.s32 $0x7000;
	s10 =	simm.s32 $0x7640  }
0x1a: {  	s12 =	simm.s32 $0x82C0;
	s14 =	simm.s32 $0x8F40;
	[dreg:$0xe] =	wrdreg s22  }
0x1b: {  	s16 =	simm.s32 $0x9BC0;
	s18 =	simm.s32 $0xA840;
	[dreg:$0xf] =	wrdreg s24  }
0x1c: {  	s20 =	simm.s32 $0xB4C0;
	s21 =	simm.s32 $0xBB00;
	[dreg:$0x10] =	wrdreg s1  }
0x1d: {  	s23 =	simm.s32 $0xC780;
	s25 =	simm.s32 $0x1;
	[dreg:$0x11] =	wrdreg s30  }
0x1e: {  	s8 =	ssub.s32 s8, s29;
	[dreg:$0x13] =	wrdreg s31;
	s22 =	simm.s32 $0xC140  }
0x1f: {  	s24 =	simm.s32 $0xCDC0;
	s0 =	sadd.s32 s0, s26;
	s6 =	smax.u32 s8, $0x1  }
0x20: {  	s8 =	simm.s32 $0x32;
	s26 =	simm.s32 $0x2;
	[dreg:$0x12] =	wrdreg s0  }
.LBB2_1:
0x21: {  	s0 =	rddreg [dreg:$0x13]  }
0x22: {  	[tilespmem:s3], [sflag:$0x3] =	stream.linear.gather [hbm4b:s0+s3], $0x7000, $0x38;
	[tilespmem:$0xD400] =	vst v63  }
0x23: {  	_ =	swait.ge [sflag:s7], $0x7000  }
0x24: {  	[sflag:s7] =	ssyncset.done $0x0  }
0x25: {  	s5 =	simm.s32 $0x0;
	[sflag:s7] =	ssyncadd.s32 $0xFFFF9000  }
0x26: {  	[tilespmem:s9], [sflag:$0x1] =	stream.indirect.gather [hbm4b:s4+s8], $0x20, s5, s8, $0xb8;
	[tilespmem:$0xD400] =	vst v63  }
0x27: {  	s1 =	simm.s32 $0x38  }
0x28: {  	[tilespmem:s10], [sflag:$0x1] =	stream.indirect.gather [hbm4b:s4+s8], $0x20, s1, s8, $0xb8;
	[tilespmem:$0xD400] =	vst v63  }
0x29: {  	s5 =	simm.s32 $0x70  }
0x2a: {  	[tilespmem:s11], [sflag:$0x1] =	stream.indirect.gather [hbm4b:s4+s8], $0x20, s5, s8, $0xb8;
	[tilespmem:$0xD400] =	vst v63  }
0x2b: {  	s1 =	simm.s32 $0xA8  }
0x2c: {  	[tilespmem:s12], [sflag:$0x1] =	stream.indirect.gather [hbm4b:s4+s8], $0x20, s1, s8, $0xb8;
	[tilespmem:$0xD400] =	vst v63  }
0x2d: {  	s5 =	simm.s32 $0xE0  }
0x2e: {  	[tilespmem:s13], [sflag:$0x1] =	stream.indirect.gather [hbm4b:s4+s8], $0x20, s5, s8, $0xb8;
	[tilespmem:$0xD400] =	vst v63  }
0x2f: {  	s1 =	simm.s32 $0x118  }
0x30: {  	[tilespmem:s14], [sflag:$0x1] =	stream.indirect.gather [hbm4b:s4+s8], $0x20, s1, s8, $0xb8;
	[tilespmem:$0xD400] =	vst v63  }
0x31: {  	s5 =	simm.s32 $0x150  }
0x32: {  	[tilespmem:s15], [sflag:$0x1] =	stream.indirect.gather [hbm4b:s4+s8], $0x20, s5, s8, $0xb8;
	[tilespmem:$0xD400] =	vst v63  }
0x33: {  	s1 =	simm.s32 $0x188  }
0x34: {  	[tilespmem:s16], [sflag:$0x1] =	stream.indirect.gather [hbm4b:s4+s8], $0x20, s1, s8, $0xb8;
	[tilespmem:$0xD400] =	vst v63  }
0x35: {  	s5 =	simm.s32 $0x1C0  }
0x36: {  	[tilespmem:s17], [sflag:$0x1] =	stream.indirect.gather [hbm4b:s4+s8], $0x20, s5, s8, $0xb8;
	[tilespmem:$0xD400] =	vst v63  }
0x37: {  	s1 =	simm.s32 $0x1F8  }
0x38: {  	[tilespmem:s18], [sflag:$0x1] =	stream.indirect.gather [hbm4b:s4+s8], $0x20, s1, s8, $0xb8;
	[tilespmem:$0xD400] =	vst v63  }
0x39: {  	s5 =	simm.s32 $0x230  }
0x3a: {  	[tilespmem:s19], [sflag:$0x1] =	stream.indirect.gather [hbm4b:s4+s8], $0x20, s5, s8, $0xb8;
	[tilespmem:$0xD400] =	vst v63  }
0x3b: {  	s1 =	simm.s32 $0x268  }
0x3c: {  	[tilespmem:s20], [sflag:$0x1] =	stream.indirect.gather [hbm4b:s4+s8], $0x20, s1, s8, $0xb8;
	[tilespmem:$0xD400] =	vst v63  }
0x3d: {  	s5 =	simm.s32 $0x2A0  }
0x3e: {  	[tilespmem:s21], [sflag:$0x1] =	stream.indirect.gather [hbm4b:s4+s8], $0x20, s5, s8, $0xb8;
	[tilespmem:$0xD400] =	vst v63  }
0x3f: {  	s1 =	simm.s32 $0x2D8  }
0x40: {  	[tilespmem:s22], [sflag:$0x1] =	stream.indirect.gather [hbm4b:s4+s8], $0x20, s1, s8, $0xb8;
	[tilespmem:$0xD400] =	vst v63  }
0x41: {  	s5 =	simm.s32 $0x310  }
0x42: {  	[tilespmem:s23], [sflag:$0x1] =	stream.indirect.gather [hbm4b:s4+s8], $0x20, s5, s8, $0xb8;
	[tilespmem:$0xD400] =	vst v63  }
0x43: {  	s1 =	simm.s32 $0x348  }
0x44: {  	[tilespmem:s24], [sflag:$0x1] =	stream.indirect.gather [hbm4b:s4+s8], $0x20, s1, s8, $0xb8;
	[tilespmem:$0xD400] =	vst v63  }
0x45: {  	_ =	swait.ge [sflag:s25], $0x640  }
0x46: {  	[sflag:s25] =	ssyncset.done $0x0  }
0x47: {  	[sflag:s25] =	ssyncadd.s32 $0xFFFFF9C0  }
0x48: {  	_ =	swait.ge [sflag:s25], $0x640  }
0x49: {  	[sflag:s25] =	ssyncset.done $0x0  }
0x4a: {  	[sflag:s25] =	ssyncadd.s32 $0xFFFFF9C0  }
0x4b: {  	_ =	swait.ge [sflag:s25], $0x640  }
0x4c: {  	[sflag:s25] =	ssyncset.done $0x0  }
0x4d: {  	[sflag:s25] =	ssyncadd.s32 $0xFFFFF9C0  }
0x4e: {  	_ =	swait.ge [sflag:s25], $0x640  }
0x4f: {  	[sflag:s25] =	ssyncset.done $0x0  }
0x50: {  	[sflag:s25] =	ssyncadd.s32 $0xFFFFF9C0  }
0x51: {  	_ =	swait.ge [sflag:s25], $0x640  }
0x52: {  	[sflag:s25] =	ssyncset.done $0x0  }
0x53: {  	[sflag:s25] =	ssyncadd.s32 $0xFFFFF9C0  }
0x54: {  	_ =	swait.ge [sflag:s25], $0x640  }
0x55: {  	[sflag:s25] =	ssyncset.done $0x0  }
0x56: {  	[sflag:s25] =	ssyncadd.s32 $0xFFFFF9C0  }
0x57: {  	_ =	swait.ge [sflag:s25], $0x640  }
0x58: {  	[sflag:s25] =	ssyncset.done $0x0  }
0x59: {  	[sflag:s25] =	ssyncadd.s32 $0xFFFFF9C0  }
0x5a: {  	_ =	swait.ge [sflag:s25], $0x640  }
0x5b: {  	[sflag:s25] =	ssyncset.done $0x0  }
0x5c: {  	[sflag:s25] =	ssyncadd.s32 $0xFFFFF9C0  }
0x5d: {  	_ =	swait.ge [sflag:s25], $0x640  }
0x5e: {  	[sflag:s25] =	ssyncset.done $0x0  }
0x5f: {  	[sflag:s25] =	ssyncadd.s32 $0xFFFFF9C0  }
0x60: {  	_ =	swait.ge [sflag:s25], $0x640  }
0x61: {  	[sflag:s25] =	ssyncset.done $0x0  }
0x62: {  	[sflag:s25] =	ssyncadd.s32 $0xFFFFF9C0  }
0x63: {  	_ =	swait.ge [sflag:s25], $0x640  }
0x64: {  	[sflag:s25] =	ssyncset.done $0x0  }
0x65: {  	[sflag:s25] =	ssyncadd.s32 $0xFFFFF9C0  }
0x66: {  	_ =	swait.ge [sflag:s25], $0x640  }
0x67: {  	[sflag:s25] =	ssyncset.done $0x0  }
0x68: {  	[sflag:s25] =	ssyncadd.s32 $0xFFFFF9C0  }
0x69: {  	_ =	swait.ge [sflag:s25], $0x640  }
0x6a: {  	[sflag:s25] =	ssyncset.done $0x0  }
0x6b: {  	[sflag:s25] =	ssyncadd.s32 $0xFFFFF9C0  }
0x6c: {  	_ =	swait.ge [sflag:s25], $0x640  }
0x6d: {  	[sflag:s25] =	ssyncset.done $0x0  }
0x6e: {  	[sflag:s25] =	ssyncadd.s32 $0xFFFFF9C0  }
0x6f: {  	_ =	swait.ge [sflag:s25], $0x640  }
0x70: {  	[sflag:s25] =	ssyncset.done $0x0  }
0x71: {  	[sflag:s25] =	ssyncadd.s32 $0xFFFFF9C0  }
0x72: {  	_ =	swait.ge [sflag:s25], $0x640  }
0x73: {  	s5 =	rddreg [dreg:$0x12];
	[sflag:s25] =	ssyncset.done $0x0  }
0x74: {  	s1 =	rddreg [dreg:$0x11];
	[sflag:s25] =	ssyncadd.s32 $0xFFFFF9C0;
	s0 =	sadd.s32 s2, s5  }
0x75: {  	[hbm4b:s0+s3] =	stream.linear.scatter [tilespmem:s9], [sflag:$0x2], $0x640, $0x38;
	[tilespmem:$0xD400] =	vst v63  }
0x76: {  	s29 =	rddreg [dreg:$0x10];
	s5 =	sadd.s32 s2, s1  }
0x77: {  	[hbm4b:s5+s3] =	stream.linear.scatter [tilespmem:s10], [sflag:$0x2], $0x640, $0x38;
	[tilespmem:$0xD400] =	vst v63  }
0x78: {  	s1 =	rddreg [dreg:$0xf];
	s5 =	sadd.s32 s2, s29  }
0x79: {  	[hbm4b:s5+s3] =	stream.linear.scatter [tilespmem:s11], [sflag:$0x2], $0x640, $0x38;
	[tilespmem:$0xD400] =	vst v63  }
0x7a: {  	s29 =	rddreg [dreg:$0xe];
	s5 =	sadd.s32 s2, s1  }
0x7b: {  	[hbm4b:s5+s3] =	stream.linear.scatter [tilespmem:s12], [sflag:$0x2], $0x640, $0x38;
	[tilespmem:$0xD400] =	vst v63  }
0x7c: {  	s1 =	rddreg [dreg:$0xd];
	s5 =	sadd.s32 s2, s29  }
0x7d: {  	[hbm4b:s5+s3] =	stream.linear.scatter [tilespmem:s13], [sflag:$0x2], $0x640, $0x38;
	[tilespmem:$0xD400] =	vst v63  }
0x7e: {  	s29 =	rddreg [dreg:$0xc];
	s5 =	sadd.s32 s2, s1  }
0x7f: {  	[hbm4b:s5+s3] =	stream.linear.scatter [tilespmem:s14], [sflag:$0x2], $0x640, $0x38;
	[tilespmem:$0xD400] =	vst v63  }
0x80: {  	s1 =	rddreg [dreg:$0xb];
	s5 =	sadd.s32 s2, s29  }
0x81: {  	[hbm4b:s5+s3] =	stream.linear.scatter [tilespmem:s15], [sflag:$0x2], $0x640, $0x38;
	[tilespmem:$0xD400] =	vst v63  }
0x82: {  	s29 =	rddreg [dreg:$0xa];
	s5 =	sadd.s32 s2, s1  }
0x83: {  	[hbm4b:s5+s3] =	stream.linear.scatter [tilespmem:s16], [sflag:$0x2], $0x640, $0x38;
	[tilespmem:$0xD400] =	vst v63  }
0x84: {  	s1 =	rddreg [dreg:$0x9];
	s5 =	sadd.s32 s2, s29  }
0x85: {  	[hbm4b:s5+s3] =	stream.linear.scatter [tilespmem:s17], [sflag:$0x2], $0x640, $0x38;
	[tilespmem:$0xD400] =	vst v63  }
0x86: {  	s29 =	rddreg [dreg:$0x8];
	s5 =	sadd.s32 s2, s1  }
0x87: {  	[hbm4b:s5+s3] =	stream.linear.scatter [tilespmem:s18], [sflag:$0x2], $0x640, $0x38;
	[tilespmem:$0xD400] =	vst v63  }
0x88: {  	s1 =	rddreg [dreg:$0x7];
	s5 =	sadd.s32 s2, s29  }
0x89: {  	[hbm4b:s5+s3] =	stream.linear.scatter [tilespmem:s19], [sflag:$0x2], $0x640, $0x38;
	[tilespmem:$0xD400] =	vst v63  }
0x8a: {  	s29 =	rddreg [dreg:$0x6];
	s5 =	sadd.s32 s2, s1  }
0x8b: {  	[hbm4b:s5+s3] =	stream.linear.scatter [tilespmem:s20], [sflag:$0x2], $0x640, $0x38;
	[tilespmem:$0xD400] =	vst v63  }
0x8c: {  	s1 =	rddreg [dreg:$0x5];
	s5 =	sadd.s32 s2, s29  }
0x8d: {  	[hbm4b:s5+s3] =	stream.linear.scatter [tilespmem:s21], [sflag:$0x2], $0x640, $0x38;
	[tilespmem:$0xD400] =	vst v63  }
0x8e: {  	s29 =	rddreg [dreg:$0x4];
	s5 =	sadd.s32 s2, s1  }
0x8f: {  	[hbm4b:s5+s3] =	stream.linear.scatter [tilespmem:s22], [sflag:$0x2], $0x640, $0x38;
	[tilespmem:$0xD400] =	vst v63  }
0x90: {  	s1 =	rddreg [dreg:$0x3];
	s5 =	sadd.s32 s2, s29  }
0x91: {  	[hbm4b:s5+s3] =	stream.linear.scatter [tilespmem:s23], [sflag:$0x2], $0x640, $0x38;
	[tilespmem:$0xD400] =	vst v63  }
0x92: {  	s5 =	sadd.s32 s2, s1  }
0x93: {  	[hbm4b:s5+s3] =	stream.linear.scatter [tilespmem:s24], [sflag:$0x2], $0x640, $0x38;
	[tilespmem:$0xD400] =	vst v63  }
0x94: {  	_ =	swait.ge [sflag:s26], $0x640  }
0x95: {  	[sflag:s26] =	ssyncset.done $0x0  }
0x96: {  	[sflag:s26] =	ssyncadd.s32 $0xFFFFF9C0  }
0x97: {  	_ =	swait.ge [sflag:s26], $0x640  }
0x98: {  	[sflag:s26] =	ssyncset.done $0x0  }
0x99: {  	[sflag:s26] =	ssyncadd.s32 $0xFFFFF9C0  }
0x9a: {  	_ =	swait.ge [sflag:s26], $0x640  }
0x9b: {  	[sflag:s26] =	ssyncset.done $0x0  }
0x9c: {  	[sflag:s26] =	ssyncadd.s32 $0xFFFFF9C0  }
0x9d: {  	_ =	swait.ge [sflag:s26], $0x640  }
0x9e: {  	[sflag:s26] =	ssyncset.done $0x0  }
0x9f: {  	[sflag:s26] =	ssyncadd.s32 $0xFFFFF9C0  }
0xa0: {  	_ =	swait.ge [sflag:s26], $0x640  }
0xa1: {  	[sflag:s26] =	ssyncset.done $0x0  }
0xa2: {  	[sflag:s26] =	ssyncadd.s32 $0xFFFFF9C0  }
0xa3: {  	_ =	swait.ge [sflag:s26], $0x640  }
0xa4: {  	[sflag:s26] =	ssyncset.done $0x0  }
0xa5: {  	[sflag:s26] =	ssyncadd.s32 $0xFFFFF9C0  }
0xa6: {  	_ =	swait.ge [sflag:s26], $0x640  }
0xa7: {  	[sflag:s26] =	ssyncset.done $0x0  }
0xa8: {  	[sflag:s26] =	ssyncadd.s32 $0xFFFFF9C0  }
0xa9: {  	_ =	swait.ge [sflag:s26], $0x640  }
0xaa: {  	[sflag:s26] =	ssyncset.done $0x0  }
0xab: {  	[sflag:s26] =	ssyncadd.s32 $0xFFFFF9C0  }
0xac: {  	_ =	swait.ge [sflag:s26], $0x640  }
0xad: {  	[sflag:s26] =	ssyncset.done $0x0  }
0xae: {  	[sflag:s26] =	ssyncadd.s32 $0xFFFFF9C0  }
0xaf: {  	_ =	swait.ge [sflag:s26], $0x640  }
0xb0: {  	[sflag:s26] =	ssyncset.done $0x0  }
0xb1: {  	[sflag:s26] =	ssyncadd.s32 $0xFFFFF9C0  }
0xb2: {  	_ =	swait.ge [sflag:s26], $0x640  }
0xb3: {  	[sflag:s26] =	ssyncset.done $0x0  }
0xb4: {  	[sflag:s26] =	ssyncadd.s32 $0xFFFFF9C0  }
0xb5: {  	_ =	swait.ge [sflag:s26], $0x640  }
0xb6: {  	[sflag:s26] =	ssyncset.done $0x0  }
0xb7: {  	[sflag:s26] =	ssyncadd.s32 $0xFFFFF9C0  }
0xb8: {  	_ =	swait.ge [sflag:s26], $0x640  }
0xb9: {  	[sflag:s26] =	ssyncset.done $0x0  }
0xba: {  	[sflag:s26] =	ssyncadd.s32 $0xFFFFF9C0  }
0xbb: {  	_ =	swait.ge [sflag:s26], $0x640  }
0xbc: {  	[sflag:s26] =	ssyncset.done $0x0  }
0xbd: {  	[sflag:s26] =	ssyncadd.s32 $0xFFFFF9C0  }
0xbe: {  	_ =	swait.ge [sflag:s26], $0x640  }
0xbf: {  	[sflag:s26] =	ssyncset.done $0x0  }
0xc0: {  	[sflag:s26] =	ssyncadd.s32 $0xFFFFF9C0  }
0xc1: {  	s30 =	simm.s32 $0xE00;
	_ =	swait.ge [sflag:s26], $0x640  }
0xc2: {  	s31 =	simm.s32 $0x1C00;
	s29 =	sadd.s32 $0xC80, s2;
	[sflag:s26] =	ssyncset.done $0x0  }
.LBB2_2:
0xc3: {  	s1 =	sshra.s32 s30, $0x2;
	[sflag:s26] =	ssyncadd.s32 $0xFFFFF9C0;
	s30 =	smov.u32 s31  }
0xc4: {  	[tilespmem:s9], [sflag:$0x1] =	stream.indirect.gather [hbm4b:s4+s8], $0x20, s1, s8, $0xb8;
	[tilespmem:$0xD400] =	vst v63  }
0xc5: {  	s0 =	sadd.s32 $0xE00, s31;
	p0 =	sne.s32 s31, $0x1B200;
	s31 =	sadd.s32 $0x38, s1  }
0xc6: {  	[tilespmem:s10], [sflag:$0x1] =	stream.indirect.gather [hbm4b:s4+s8], $0x20, s31, s8, $0xb8;
	[tilespmem:$0xD400] =	vst v63  }
0xc7: {  	s31 =	sadd.s32 $0x70, s1  }
0xc8: {  	[tilespmem:s11], [sflag:$0x1] =	stream.indirect.gather [hbm4b:s4+s8], $0x20, s31, s8, $0xb8;
	[tilespmem:$0xD400] =	vst v63  }
0xc9: {  	s31 =	sadd.s32 $0xA8, s1  }
0xca: {  	[tilespmem:s12], [sflag:$0x1] =	stream.indirect.gather [hbm4b:s4+s8], $0x20, s31, s8, $0xb8;
	[tilespmem:$0xD400] =	vst v63  }
0xcb: {  	s31 =	sadd.s32 $0xE0, s1  }
0xcc: {  	[tilespmem:s13], [sflag:$0x1] =	stream.indirect.gather [hbm4b:s4+s8], $0x20, s31, s8, $0xb8;
	[tilespmem:$0xD400] =	vst v63  }
0xcd: {  	s31 =	sadd.s32 $0x118, s1  }
0xce: {  	[tilespmem:s14], [sflag:$0x1] =	stream.indirect.gather [hbm4b:s4+s8], $0x20, s31, s8, $0xb8;
	[tilespmem:$0xD400] =	vst v63  }
0xcf: {  	s31 =	sadd.s32 $0x150, s1  }
0xd0: {  	[tilespmem:s15], [sflag:$0x1] =	stream.indirect.gather [hbm4b:s4+s8], $0x20, s31, s8, $0xb8;
	[tilespmem:$0xD400] =	vst v63  }
0xd1: {  	s31 =	sadd.s32 $0x188, s1  }
0xd2: {  	[tilespmem:s16], [sflag:$0x1] =	stream.indirect.gather [hbm4b:s4+s8], $0x20, s31, s8, $0xb8;
	[tilespmem:$0xD400] =	vst v63  }
0xd3: {  	s31 =	sadd.s32 $0x1C0, s1  }
0xd4: {  	[tilespmem:s17], [sflag:$0x1] =	stream.indirect.gather [hbm4b:s4+s8], $0x20, s31, s8, $0xb8;
	[tilespmem:$0xD400] =	vst v63  }
0xd5: {  	s31 =	sadd.s32 $0x1F8, s1  }
0xd6: {  	[tilespmem:s18], [sflag:$0x1] =	stream.indirect.gather [hbm4b:s4+s8], $0x20, s31, s8, $0xb8;
	[tilespmem:$0xD400] =	vst v63  }
0xd7: {  	s31 =	sadd.s32 $0x230, s1  }
0xd8: {  	[tilespmem:s19], [sflag:$0x1] =	stream.indirect.gather [hbm4b:s4+s8], $0x20, s31, s8, $0xb8;
	[tilespmem:$0xD400] =	vst v63  }
0xd9: {  	s31 =	sadd.s32 $0x268, s1  }
0xda: {  	[tilespmem:s20], [sflag:$0x1] =	stream.indirect.gather [hbm4b:s4+s8], $0x20, s31, s8, $0xb8;
	[tilespmem:$0xD400] =	vst v63  }
0xdb: {  	s31 =	sadd.s32 $0x2A0, s1  }
0xdc: {  	[tilespmem:s21], [sflag:$0x1] =	stream.indirect.gather [hbm4b:s4+s8], $0x20, s31, s8, $0xb8;
	[tilespmem:$0xD400] =	vst v63  }
0xdd: {  	s31 =	sadd.s32 $0x2D8, s1  }
0xde: {  	[tilespmem:s22], [sflag:$0x1] =	stream.indirect.gather [hbm4b:s4+s8], $0x20, s31, s8, $0xb8;
	[tilespmem:$0xD400] =	vst v63  }
0xdf: {  	s31 =	sadd.s32 $0x310, s1  }
0xe0: {  	[tilespmem:s23], [sflag:$0x1] =	stream.indirect.gather [hbm4b:s4+s8], $0x20, s31, s8, $0xb8;
	[tilespmem:$0xD400] =	vst v63  }
0xe1: {  	s1 =	sadd.s32 $0x348, s1  }
0xe2: {  	[tilespmem:s24], [sflag:$0x1] =	stream.indirect.gather [hbm4b:s4+s8], $0x20, s1, s8, $0xb8;
	[tilespmem:$0xD400] =	vst v63  }
0xe3: {  	_ =	swait.ge [sflag:s25], $0x640  }
0xe4: {  	[sflag:s25] =	ssyncset.done $0x0  }
0xe5: {  	[sflag:s25] =	ssyncadd.s32 $0xFFFFF9C0  }
0xe6: {  	_ =	swait.ge [sflag:s25], $0x640  }
0xe7: {  	[sflag:s25] =	ssyncset.done $0x0  }
0xe8: {  	[sflag:s25] =	ssyncadd.s32 $0xFFFFF9C0  }
0xe9: {  	_ =	swait.ge [sflag:s25], $0x640  }
0xea: {  	[sflag:s25] =	ssyncset.done $0x0  }
0xeb: {  	[sflag:s25] =	ssyncadd.s32 $0xFFFFF9C0  }
0xec: {  	_ =	swait.ge [sflag:s25], $0x640  }
0xed: {  	[sflag:s25] =	ssyncset.done $0x0  }
0xee: {  	[sflag:s25] =	ssyncadd.s32 $0xFFFFF9C0  }
0xef: {  	_ =	swait.ge [sflag:s25], $0x640  }
0xf0: {  	[sflag:s25] =	ssyncset.done $0x0  }
0xf1: {  	[sflag:s25] =	ssyncadd.s32 $0xFFFFF9C0  }
0xf2: {  	_ =	swait.ge [sflag:s25], $0x640  }
0xf3: {  	[sflag:s25] =	ssyncset.done $0x0  }
0xf4: {  	[sflag:s25] =	ssyncadd.s32 $0xFFFFF9C0  }
0xf5: {  	_ =	swait.ge [sflag:s25], $0x640  }
0xf6: {  	[sflag:s25] =	ssyncset.done $0x0  }
0xf7: {  	[sflag:s25] =	ssyncadd.s32 $0xFFFFF9C0  }
0xf8: {  	_ =	swait.ge [sflag:s25], $0x640  }
0xf9: {  	[sflag:s25] =	ssyncset.done $0x0  }
0xfa: {  	[sflag:s25] =	ssyncadd.s32 $0xFFFFF9C0  }
0xfb: {  	_ =	swait.ge [sflag:s25], $0x640  }
0xfc: {  	[sflag:s25] =	ssyncset.done $0x0  }
0xfd: {  	[sflag:s25] =	ssyncadd.s32 $0xFFFFF9C0  }
0xfe: {  	_ =	swait.ge [sflag:s25], $0x640  }
0xff: {  	[sflag:s25] =	ssyncset.done $0x0  }
0x100: {  	[sflag:s25] =	ssyncadd.s32 $0xFFFFF9C0  }
0x101: {  	_ =	swait.ge [sflag:s25], $0x640  }
0x102: {  	[sflag:s25] =	ssyncset.done $0x0  }
0x103: {  	[sflag:s25] =	ssyncadd.s32 $0xFFFFF9C0  }
0x104: {  	_ =	swait.ge [sflag:s25], $0x640  }
0x105: {  	[sflag:s25] =	ssyncset.done $0x0  }
0x106: {  	[sflag:s25] =	ssyncadd.s32 $0xFFFFF9C0  }
0x107: {  	_ =	swait.ge [sflag:s25], $0x640  }
0x108: {  	[sflag:s25] =	ssyncset.done $0x0  }
0x109: {  	[sflag:s25] =	ssyncadd.s32 $0xFFFFF9C0  }
0x10a: {  	_ =	swait.ge [sflag:s25], $0x640  }
0x10b: {  	[sflag:s25] =	ssyncset.done $0x0  }
0x10c: {  	[sflag:s25] =	ssyncadd.s32 $0xFFFFF9C0  }
0x10d: {  	_ =	swait.ge [sflag:s25], $0x640  }
0x10e: {  	[sflag:s25] =	ssyncset.done $0x0  }
0x10f: {  	[sflag:s25] =	ssyncadd.s32 $0xFFFFF9C0  }
0x110: {  	_ =	swait.ge [sflag:s25], $0x640  }
0x111: {  	s5 =	rddreg [dreg:$0x12];
	[sflag:s25] =	ssyncset.done $0x0  }
0x112: {  	s31 =	rddreg [dreg:$0x11];
	[sflag:s25] =	ssyncadd.s32 $0xFFFFF9C0;
	s1 =	sadd.s32 s29, s5  }
0x113: {  	[hbm4b:s1+s3] =	stream.linear.scatter [tilespmem:s9], [sflag:$0x2], $0x640, $0x38;
	[tilespmem:$0xD400] =	vst v63  }
0x114: {  	s5 =	rddreg [dreg:$0x10];
	s1 =	sadd.s32 s29, s31  }
0x115: {  	[hbm4b:s1+s3] =	stream.linear.scatter [tilespmem:s10], [sflag:$0x2], $0x640, $0x38;
	[tilespmem:$0xD400] =	vst v63  }
0x116: {  	s31 =	rddreg [dreg:$0xf];
	s1 =	sadd.s32 s29, s5  }
0x117: {  	[hbm4b:s1+s3] =	stream.linear.scatter [tilespmem:s11], [sflag:$0x2], $0x640, $0x38;
	[tilespmem:$0xD400] =	vst v63  }
0x118: {  	s5 =	rddreg [dreg:$0xe];
	s1 =	sadd.s32 s29, s31  }
0x119: {  	[hbm4b:s1+s3] =	stream.linear.scatter [tilespmem:s12], [sflag:$0x2], $0x640, $0x38;
	[tilespmem:$0xD400] =	vst v63  }
0x11a: {  	s31 =	rddreg [dreg:$0xd];
	s1 =	sadd.s32 s29, s5  }
0x11b: {  	[hbm4b:s1+s3] =	stream.linear.scatter [tilespmem:s13], [sflag:$0x2], $0x640, $0x38;
	[tilespmem:$0xD400] =	vst v63  }
0x11c: {  	s5 =	rddreg [dreg:$0xc];
	s1 =	sadd.s32 s29, s31  }
0x11d: {  	[hbm4b:s1+s3] =	stream.linear.scatter [tilespmem:s14], [sflag:$0x2], $0x640, $0x38;
	[tilespmem:$0xD400] =	vst v63  }
0x11e: {  	s31 =	rddreg [dreg:$0xb];
	s1 =	sadd.s32 s29, s5  }
0x11f: {  	[hbm4b:s1+s3] =	stream.linear.scatter [tilespmem:s15], [sflag:$0x2], $0x640, $0x38;
	[tilespmem:$0xD400] =	vst v63  }
0x120: {  	s5 =	rddreg [dreg:$0xa];
	s1 =	sadd.s32 s29, s31  }
0x121: {  	[hbm4b:s1+s3] =	stream.linear.scatter [tilespmem:s16], [sflag:$0x2], $0x640, $0x38;
	[tilespmem:$0xD400] =	vst v63  }
0x122: {  	s31 =	rddreg [dreg:$0x9];
	s1 =	sadd.s32 s29, s5  }
0x123: {  	[hbm4b:s1+s3] =	stream.linear.scatter [tilespmem:s17], [sflag:$0x2], $0x640, $0x38;
	[tilespmem:$0xD400] =	vst v63  }
0x124: {  	s5 =	rddreg [dreg:$0x8];
	s1 =	sadd.s32 s29, s31  }
0x125: {  	[hbm4b:s1+s3] =	stream.linear.scatter [tilespmem:s18], [sflag:$0x2], $0x640, $0x38;
	[tilespmem:$0xD400] =	vst v63  }
0x126: {  	s31 =	rddreg [dreg:$0x7];
	s1 =	sadd.s32 s29, s5  }
0x127: {  	[hbm4b:s1+s3] =	stream.linear.scatter [tilespmem:s19], [sflag:$0x2], $0x640, $0x38;
	[tilespmem:$0xD400] =	vst v63  }
0x128: {  	s5 =	rddreg [dreg:$0x6];
	s1 =	sadd.s32 s29, s31  }
0x129: {  	[hbm4b:s1+s3] =	stream.linear.scatter [tilespmem:s20], [sflag:$0x2], $0x640, $0x38;
	[tilespmem:$0xD400] =	vst v63  }
0x12a: {  	s31 =	rddreg [dreg:$0x5];
	s1 =	sadd.s32 s29, s5  }
0x12b: {  	[hbm4b:s1+s3] =	stream.linear.scatter [tilespmem:s21], [sflag:$0x2], $0x640, $0x38;
	[tilespmem:$0xD400] =	vst v63  }
0x12c: {  	s5 =	rddreg [dreg:$0x4];
	s1 =	sadd.s32 s29, s31  }
0x12d: {  	[hbm4b:s1+s3] =	stream.linear.scatter [tilespmem:s22], [sflag:$0x2], $0x640, $0x38;
	[tilespmem:$0xD400] =	vst v63  }
0x12e: {  	s5 =	sadd.s32 s29, s5;
	s31 =	rddreg [dreg:$0x3]  }
0x12f: {  	[hbm4b:s5+s3] =	stream.linear.scatter [tilespmem:s23], [sflag:$0x2], $0x640, $0x38;
	[tilespmem:$0xD400] =	vst v63  }
0x130: {  	s5 =	sadd.s32 s29, s31  }
0x131: {  	[hbm4b:s5+s3] =	stream.linear.scatter [tilespmem:s24], [sflag:$0x2], $0x640, $0x38;
	[tilespmem:$0xD400] =	vst v63  }
0x132: {  	_ =	swait.ge [sflag:s26], $0x640  }
0x133: {  	[sflag:s26] =	ssyncset.done $0x0  }
0x134: {  	[sflag:s26] =	ssyncadd.s32 $0xFFFFF9C0  }
0x135: {  	_ =	swait.ge [sflag:s26], $0x640  }
0x136: {  	[sflag:s26] =	ssyncset.done $0x0  }
0x137: {  	[sflag:s26] =	ssyncadd.s32 $0xFFFFF9C0  }
0x138: {  	_ =	swait.ge [sflag:s26], $0x640  }
0x139: {  	[sflag:s26] =	ssyncset.done $0x0  }
0x13a: {  	[sflag:s26] =	ssyncadd.s32 $0xFFFFF9C0  }
0x13b: {  	_ =	swait.ge [sflag:s26], $0x640  }
0x13c: {  	[sflag:s26] =	ssyncset.done $0x0  }
0x13d: {  	[sflag:s26] =	ssyncadd.s32 $0xFFFFF9C0  }
0x13e: {  	_ =	swait.ge [sflag:s26], $0x640  }
0x13f: {  	[sflag:s26] =	ssyncset.done $0x0  }
0x140: {  	[sflag:s26] =	ssyncadd.s32 $0xFFFFF9C0  }
0x141: {  	_ =	swait.ge [sflag:s26], $0x640  }
0x142: {  	[sflag:s26] =	ssyncset.done $0x0  }
0x143: {  	[sflag:s26] =	ssyncadd.s32 $0xFFFFF9C0  }
0x144: {  	_ =	swait.ge [sflag:s26], $0x640  }
0x145: {  	[sflag:s26] =	ssyncset.done $0x0  }
0x146: {  	[sflag:s26] =	ssyncadd.s32 $0xFFFFF9C0  }
0x147: {  	_ =	swait.ge [sflag:s26], $0x640  }
0x148: {  	[sflag:s26] =	ssyncset.done $0x0  }
0x149: {  	[sflag:s26] =	ssyncadd.s32 $0xFFFFF9C0  }
0x14a: {  	_ =	swait.ge [sflag:s26], $0x640  }
0x14b: {  	[sflag:s26] =	ssyncset.done $0x0  }
0x14c: {  	[sflag:s26] =	ssyncadd.s32 $0xFFFFF9C0  }
0x14d: {  	_ =	swait.ge [sflag:s26], $0x640  }
0x14e: {  	[sflag:s26] =	ssyncset.done $0x0  }
0x14f: {  	[sflag:s26] =	ssyncadd.s32 $0xFFFFF9C0  }
0x150: {  	_ =	swait.ge [sflag:s26], $0x640  }
0x151: {  	[sflag:s26] =	ssyncset.done $0x0  }
0x152: {  	[sflag:s26] =	ssyncadd.s32 $0xFFFFF9C0  }
0x153: {  	_ =	swait.ge [sflag:s26], $0x640  }
0x154: {  	[sflag:s26] =	ssyncset.done $0x0  }
0x155: {  	[sflag:s26] =	ssyncadd.s32 $0xFFFFF9C0  }
0x156: {  	_ =	swait.ge [sflag:s26], $0x640  }
0x157: {  	[sflag:s26] =	ssyncset.done $0x0  }
0x158: {  	[sflag:s26] =	ssyncadd.s32 $0xFFFFF9C0  }
0x159: {  	_ =	swait.ge [sflag:s26], $0x640  }
0x15a: {  	[sflag:s26] =	ssyncset.done $0x0  }
0x15b: {  	[sflag:s26] =	ssyncadd.s32 $0xFFFFF9C0  }
.Ltmp0:
0x15c: {  	_ =	swait.ge [sflag:s26], $0x640;
	(pc) =	sbr.rel @p0 .LBB2_2-.Ltmp0, $4  }
0x15d: {  	[sflag:s26] =	ssyncset.done $0x0  }
0x15e: {  	[sflag:s26] =	ssyncadd.s32 $0xFFFFF9C0  }
0x15f: {  	_ =	swait.ge [sflag:s26], $0x640  }
0x160: {  	s29 =	sadd.s32 $0xC80, s29;
	s31 =	smov.u32 s0;
	[sflag:s26] =	ssyncset.done $0x0  }
0x161: {  	s0 =	sshra.s32 s30, $0x2;
	[sflag:s26] =	ssyncadd.s32 $0xFFFFF9C0  }
0x162: {  	[tilespmem:s9], [sflag:$0x1] =	stream.indirect.gather [hbm4b:s4+s8], $0x20, s0, s8, $0xb8;
	[tilespmem:$0xD400] =	vst v63  }
0x163: {  	s1 =	sadd.s32 $0x38, s0  }
0x164: {  	[tilespmem:s10], [sflag:$0x1] =	stream.indirect.gather [hbm4b:s4+s8], $0x20, s1, s8, $0xb8;
	[tilespmem:$0xD400] =	vst v63  }
0x165: {  	s5 =	sadd.s32 $0x70, s0  }
0x166: {  	[tilespmem:s11], [sflag:$0x1] =	stream.indirect.gather [hbm4b:s4+s8], $0x20, s5, s8, $0xb8;
	[tilespmem:$0xD400] =	vst v63  }
0x167: {  	s30 =	sadd.s32 $0xA8, s0  }
0x168: {  	[tilespmem:s12], [sflag:$0x1] =	stream.indirect.gather [hbm4b:s4+s8], $0x20, s30, s8, $0xb8;
	[tilespmem:$0xD400] =	vst v63  }
0x169: {  	s31 =	sadd.s32 $0xE0, s0  }
0x16a: {  	[tilespmem:s13], [sflag:$0x1] =	stream.indirect.gather [hbm4b:s4+s8], $0x20, s31, s8, $0xb8;
	[tilespmem:$0xD400] =	vst v63  }
0x16b: {  	s5 =	sadd.s32 $0x118, s0  }
0x16c: {  	[tilespmem:s14], [sflag:$0x1] =	stream.indirect.gather [hbm4b:s4+s8], $0x20, s5, s8, $0xb8;
	[tilespmem:$0xD400] =	vst v63  }
0x16d: {  	s30 =	sadd.s32 $0x150, s0  }
0x16e: {  	[tilespmem:s15], [sflag:$0x1] =	stream.indirect.gather [hbm4b:s4+s8], $0x20, s30, s8, $0xb8;
	[tilespmem:$0xD400] =	vst v63  }
0x16f: {  	s31 =	sadd.s32 $0x188, s0  }
0x170: {  	[tilespmem:s16], [sflag:$0x1] =	stream.indirect.gather [hbm4b:s4+s8], $0x20, s31, s8, $0xb8;
	[tilespmem:$0xD400] =	vst v63  }
0x171: {  	s5 =	sadd.s32 $0x1C0, s0  }
0x172: {  	[tilespmem:s17], [sflag:$0x1] =	stream.indirect.gather [hbm4b:s4+s8], $0x20, s5, s8, $0xb8;
	[tilespmem:$0xD400] =	vst v63  }
0x173: {  	s30 =	sadd.s32 $0x1F8, s0  }
0x174: {  	[tilespmem:s18], [sflag:$0x1] =	stream.indirect.gather [hbm4b:s4+s8], $0x20, s30, s8, $0xb8;
	[tilespmem:$0xD400] =	vst v63  }
0x175: {  	s31 =	sadd.s32 $0x230, s0  }
0x176: {  	[tilespmem:s19], [sflag:$0x1] =	stream.indirect.gather [hbm4b:s4+s8], $0x20, s31, s8, $0xb8;
	[tilespmem:$0xD400] =	vst v63  }
0x177: {  	s5 =	sadd.s32 $0x268, s0  }
0x178: {  	[tilespmem:s20], [sflag:$0x1] =	stream.indirect.gather [hbm4b:s4+s8], $0x20, s5, s8, $0xb8;
	[tilespmem:$0xD400] =	vst v63  }
0x179: {  	s30 =	sadd.s32 $0x2A0, s0  }
0x17a: {  	[tilespmem:s21], [sflag:$0x1] =	stream.indirect.gather [hbm4b:s4+s8], $0x20, s30, s8, $0xb8;
	[tilespmem:$0xD400] =	vst v63  }
0x17b: {  	s31 =	sadd.s32 $0x2D8, s0  }
0x17c: {  	[tilespmem:s22], [sflag:$0x1] =	stream.indirect.gather [hbm4b:s4+s8], $0x20, s31, s8, $0xb8;
	[tilespmem:$0xD400] =	vst v63  }
0x17d: {  	s5 =	sadd.s32 $0x310, s0  }
0x17e: {  	[tilespmem:s23], [sflag:$0x1] =	stream.indirect.gather [hbm4b:s4+s8], $0x20, s5, s8, $0xb8;
	[tilespmem:$0xD400] =	vst v63  }
0x17f: {  	s0 =	sadd.s32 $0x348, s0  }
0x180: {  	[tilespmem:s24], [sflag:$0x1] =	stream.indirect.gather [hbm4b:s4+s8], $0x20, s0, s8, $0xb8;
	[tilespmem:$0xD400] =	vst v63  }
0x181: {  	_ =	swait.ge [sflag:s25], $0x640  }
0x182: {  	[sflag:s25] =	ssyncset.done $0x0  }
0x183: {  	[sflag:s25] =	ssyncadd.s32 $0xFFFFF9C0  }
0x184: {  	_ =	swait.ge [sflag:s25], $0x640  }
0x185: {  	[sflag:s25] =	ssyncset.done $0x0  }
0x186: {  	[sflag:s25] =	ssyncadd.s32 $0xFFFFF9C0  }
0x187: {  	_ =	swait.ge [sflag:s25], $0x640  }
0x188: {  	[sflag:s25] =	ssyncset.done $0x0  }
0x189: {  	[sflag:s25] =	ssyncadd.s32 $0xFFFFF9C0  }
0x18a: {  	_ =	swait.ge [sflag:s25], $0x640  }
0x18b: {  	[sflag:s25] =	ssyncset.done $0x0  }
0x18c: {  	[sflag:s25] =	ssyncadd.s32 $0xFFFFF9C0  }
0x18d: {  	_ =	swait.ge [sflag:s25], $0x640  }
0x18e: {  	[sflag:s25] =	ssyncset.done $0x0  }
0x18f: {  	[sflag:s25] =	ssyncadd.s32 $0xFFFFF9C0  }
0x190: {  	_ =	swait.ge [sflag:s25], $0x640  }
0x191: {  	[sflag:s25] =	ssyncset.done $0x0  }
0x192: {  	[sflag:s25] =	ssyncadd.s32 $0xFFFFF9C0  }
0x193: {  	_ =	swait.ge [sflag:s25], $0x640  }
0x194: {  	[sflag:s25] =	ssyncset.done $0x0  }
0x195: {  	[sflag:s25] =	ssyncadd.s32 $0xFFFFF9C0  }
0x196: {  	_ =	swait.ge [sflag:s25], $0x640  }
0x197: {  	[sflag:s25] =	ssyncset.done $0x0  }
0x198: {  	[sflag:s25] =	ssyncadd.s32 $0xFFFFF9C0  }
0x199: {  	_ =	swait.ge [sflag:s25], $0x640  }
0x19a: {  	[sflag:s25] =	ssyncset.done $0x0  }
0x19b: {  	[sflag:s25] =	ssyncadd.s32 $0xFFFFF9C0  }
0x19c: {  	_ =	swait.ge [sflag:s25], $0x640  }
0x19d: {  	[sflag:s25] =	ssyncset.done $0x0  }
0x19e: {  	[sflag:s25] =	ssyncadd.s32 $0xFFFFF9C0  }
0x19f: {  	_ =	swait.ge [sflag:s25], $0x640  }
0x1a0: {  	[sflag:s25] =	ssyncset.done $0x0  }
0x1a1: {  	[sflag:s25] =	ssyncadd.s32 $0xFFFFF9C0  }
0x1a2: {  	_ =	swait.ge [sflag:s25], $0x640  }
0x1a3: {  	[sflag:s25] =	ssyncset.done $0x0  }
0x1a4: {  	[sflag:s25] =	ssyncadd.s32 $0xFFFFF9C0  }
0x1a5: {  	_ =	swait.ge [sflag:s25], $0x640  }
0x1a6: {  	[sflag:s25] =	ssyncset.done $0x0  }
0x1a7: {  	[sflag:s25] =	ssyncadd.s32 $0xFFFFF9C0  }
0x1a8: {  	_ =	swait.ge [sflag:s25], $0x640  }
0x1a9: {  	[sflag:s25] =	ssyncset.done $0x0  }
0x1aa: {  	[sflag:s25] =	ssyncadd.s32 $0xFFFFF9C0  }
0x1ab: {  	_ =	swait.ge [sflag:s25], $0x640  }
0x1ac: {  	[sflag:s25] =	ssyncset.done $0x0  }
0x1ad: {  	[sflag:s25] =	ssyncadd.s32 $0xFFFFF9C0  }
0x1ae: {  	_ =	swait.ge [sflag:s25], $0x640  }
0x1af: {  	s30 =	rddreg [dreg:$0x12];
	[sflag:s25] =	ssyncset.done $0x0  }
0x1b0: {  	s31 =	rddreg [dreg:$0x11];
	[sflag:s25] =	ssyncadd.s32 $0xFFFFF9C0;
	s0 =	sadd.s32 s29, s30  }
0x1b1: {  	[hbm4b:s0+s3] =	stream.linear.scatter [tilespmem:s9], [sflag:$0x2], $0x640, $0x38;
	[tilespmem:$0xD400] =	vst v63  }
0x1b2: {  	s5 =	rddreg [dreg:$0x10];
	s1 =	sadd.s32 s29, s31  }
0x1b3: {  	[hbm4b:s1+s3] =	stream.linear.scatter [tilespmem:s10], [sflag:$0x2], $0x640, $0x38;
	[tilespmem:$0xD400] =	vst v63  }
0x1b4: {  	s30 =	rddreg [dreg:$0xf];
	s0 =	sadd.s32 s29, s5  }
0x1b5: {  	[hbm4b:s0+s3] =	stream.linear.scatter [tilespmem:s11], [sflag:$0x2], $0x640, $0x38;
	[tilespmem:$0xD400] =	vst v63  }
0x1b6: {  	s31 =	rddreg [dreg:$0xe];
	s1 =	sadd.s32 s29, s30  }
0x1b7: {  	[hbm4b:s1+s3] =	stream.linear.scatter [tilespmem:s12], [sflag:$0x2], $0x640, $0x38;
	[tilespmem:$0xD400] =	vst v63  }
0x1b8: {  	s5 =	rddreg [dreg:$0xd];
	s0 =	sadd.s32 s29, s31  }
0x1b9: {  	[hbm4b:s0+s3] =	stream.linear.scatter [tilespmem:s13], [sflag:$0x2], $0x640, $0x38;
	[tilespmem:$0xD400] =	vst v63  }
0x1ba: {  	s30 =	rddreg [dreg:$0xc];
	s1 =	sadd.s32 s29, s5  }
0x1bb: {  	[hbm4b:s1+s3] =	stream.linear.scatter [tilespmem:s14], [sflag:$0x2], $0x640, $0x38;
	[tilespmem:$0xD400] =	vst v63  }
0x1bc: {  	s31 =	rddreg [dreg:$0xb];
	s0 =	sadd.s32 s29, s30  }
0x1bd: {  	[hbm4b:s0+s3] =	stream.linear.scatter [tilespmem:s15], [sflag:$0x2], $0x640, $0x38;
	[tilespmem:$0xD400] =	vst v63  }
0x1be: {  	s5 =	rddreg [dreg:$0xa];
	s1 =	sadd.s32 s29, s31  }
0x1bf: {  	[hbm4b:s1+s3] =	stream.linear.scatter [tilespmem:s16], [sflag:$0x2], $0x640, $0x38;
	[tilespmem:$0xD400] =	vst v63  }
0x1c0: {  	s30 =	rddreg [dreg:$0x9];
	s0 =	sadd.s32 s29, s5  }
0x1c1: {  	[hbm4b:s0+s3] =	stream.linear.scatter [tilespmem:s17], [sflag:$0x2], $0x640, $0x38;
	[tilespmem:$0xD400] =	vst v63  }
0x1c2: {  	s31 =	rddreg [dreg:$0x8];
	s1 =	sadd.s32 s29, s30  }
0x1c3: {  	[hbm4b:s1+s3] =	stream.linear.scatter [tilespmem:s18], [sflag:$0x2], $0x640, $0x38;
	[tilespmem:$0xD400] =	vst v63  }
0x1c4: {  	s5 =	rddreg [dreg:$0x7];
	s0 =	sadd.s32 s29, s31  }
0x1c5: {  	[hbm4b:s0+s3] =	stream.linear.scatter [tilespmem:s19], [sflag:$0x2], $0x640, $0x38;
	[tilespmem:$0xD400] =	vst v63  }
0x1c6: {  	s30 =	rddreg [dreg:$0x6];
	s1 =	sadd.s32 s29, s5  }
0x1c7: {  	[hbm4b:s1+s3] =	stream.linear.scatter [tilespmem:s20], [sflag:$0x2], $0x640, $0x38;
	[tilespmem:$0xD400] =	vst v63  }
0x1c8: {  	s31 =	rddreg [dreg:$0x5];
	s0 =	sadd.s32 s29, s30  }
0x1c9: {  	[hbm4b:s0+s3] =	stream.linear.scatter [tilespmem:s21], [sflag:$0x2], $0x640, $0x38;
	[tilespmem:$0xD400] =	vst v63  }
0x1ca: {  	s5 =	rddreg [dreg:$0x4];
	s1 =	sadd.s32 s29, s31  }
0x1cb: {  	[hbm4b:s1+s3] =	stream.linear.scatter [tilespmem:s22], [sflag:$0x2], $0x640, $0x38;
	[tilespmem:$0xD400] =	vst v63  }
0x1cc: {  	s30 =	rddreg [dreg:$0x3];
	s0 =	sadd.s32 s29, s5  }
0x1cd: {  	[hbm4b:s0+s3] =	stream.linear.scatter [tilespmem:s23], [sflag:$0x2], $0x640, $0x38;
	[tilespmem:$0xD400] =	vst v63  }
0x1ce: {  	s31 =	sadd.s32 s29, s30  }
0x1cf: {  	[hbm4b:s31+s3] =	stream.linear.scatter [tilespmem:s24], [sflag:$0x2], $0x640, $0x38;
	[tilespmem:$0xD400] =	vst v63  }
0x1d0: {  	_ =	swait.ge [sflag:s26], $0x640  }
0x1d1: {  	[sflag:s26] =	ssyncset.done $0x0  }
0x1d2: {  	[sflag:s26] =	ssyncadd.s32 $0xFFFFF9C0  }
0x1d3: {  	_ =	swait.ge [sflag:s26], $0x640  }
0x1d4: {  	[sflag:s26] =	ssyncset.done $0x0  }
0x1d5: {  	[sflag:s26] =	ssyncadd.s32 $0xFFFFF9C0  }
0x1d6: {  	_ =	swait.ge [sflag:s26], $0x640  }
0x1d7: {  	[sflag:s26] =	ssyncset.done $0x0  }
0x1d8: {  	[sflag:s26] =	ssyncadd.s32 $0xFFFFF9C0  }
0x1d9: {  	_ =	swait.ge [sflag:s26], $0x640  }
0x1da: {  	[sflag:s26] =	ssyncset.done $0x0  }
0x1db: {  	[sflag:s26] =	ssyncadd.s32 $0xFFFFF9C0  }
0x1dc: {  	_ =	swait.ge [sflag:s26], $0x640  }
0x1dd: {  	[sflag:s26] =	ssyncset.done $0x0  }
0x1de: {  	[sflag:s26] =	ssyncadd.s32 $0xFFFFF9C0  }
0x1df: {  	_ =	swait.ge [sflag:s26], $0x640  }
0x1e0: {  	[sflag:s26] =	ssyncset.done $0x0  }
0x1e1: {  	[sflag:s26] =	ssyncadd.s32 $0xFFFFF9C0  }
0x1e2: {  	_ =	swait.ge [sflag:s26], $0x640  }
0x1e3: {  	[sflag:s26] =	ssyncset.done $0x0  }
0x1e4: {  	[sflag:s26] =	ssyncadd.s32 $0xFFFFF9C0  }
0x1e5: {  	_ =	swait.ge [sflag:s26], $0x640  }
0x1e6: {  	[sflag:s26] =	ssyncset.done $0x0  }
0x1e7: {  	[sflag:s26] =	ssyncadd.s32 $0xFFFFF9C0  }
0x1e8: {  	_ =	swait.ge [sflag:s26], $0x640  }
0x1e9: {  	[sflag:s26] =	ssyncset.done $0x0  }
0x1ea: {  	[sflag:s26] =	ssyncadd.s32 $0xFFFFF9C0  }
0x1eb: {  	_ =	swait.ge [sflag:s26], $0x640  }
0x1ec: {  	[sflag:s26] =	ssyncset.done $0x0  }
0x1ed: {  	[sflag:s26] =	ssyncadd.s32 $0xFFFFF9C0  }
0x1ee: {  	_ =	swait.ge [sflag:s26], $0x640  }
0x1ef: {  	[sflag:s26] =	ssyncset.done $0x0  }
0x1f0: {  	[sflag:s26] =	ssyncadd.s32 $0xFFFFF9C0  }
0x1f1: {  	_ =	swait.ge [sflag:s26], $0x640  }
0x1f2: {  	[sflag:s26] =	ssyncset.done $0x0  }
0x1f3: {  	[sflag:s26] =	ssyncadd.s32 $0xFFFFF9C0  }
0x1f4: {  	_ =	swait.ge [sflag:s26], $0x640  }
0x1f5: {  	[sflag:s26] =	ssyncset.done $0x0  }
0x1f6: {  	[sflag:s26] =	ssyncadd.s32 $0xFFFFF9C0  }
0x1f7: {  	_ =	swait.ge [sflag:s26], $0x640  }
0x1f8: {  	[sflag:s26] =	ssyncset.done $0x0  }
0x1f9: {  	s28 =	sadd.s32 $0x1, s28;
	[sflag:s26] =	ssyncadd.s32 $0xFFFFF9C0  }
0x1fa: {  	p0 =	sne.s32 s28, s6;
	_ =	swait.ge [sflag:s26], $0x640  }
.Ltmp1:
0x1fb: {  	[sflag:s26] =	ssyncset.done $0x0;
	(pc) =	sbr.rel @p0 .LBB2_1-.Ltmp1, $4  }
0x1fc: {  	[sflag:s26] =	ssyncadd.s32 $0xFFFFF9C0  }
0x1fd: {  	_ =	swait.ge [sflag:s26], $0x640  }
0x1fe: {  	[sflag:s26] =	ssyncset.done $0x0  }
0x1ff: {  	[sflag:s26] =	ssyncadd.s32 $0xFFFFF9C0  }
0x200: {  	_ =	sfence.sel $0x180000  }
0x201: {  	[bflag:$0x0] =	sbarrier.arrive $0xFFFF  }
0x202: {  	_ =	strace $0x90000047  }
0x203: {  	s0 =	stileid.u32;
	[bflag:$0x2] =	sbarrier.arrive $0xFFFF  }
0x204: {  	p0 =	sne.s32 s0, $0x0;
	s0 =	rddreg [dreg:$0x2]  }
0x205: {  	s0 =	sadd.s32 @!p0 $0x100000, s0  }
0x206: {  	[sflag:s0] =	ssyncadd.tile.s32 @!p0 $0x1;
	_ =	shalt  }
.Lfunc_end2:
_tile_overlayer_lowered:
.L_overlay_start_2:
0x207: {  	(tag) =	ssettag $0x2  }
0x208: {  	s0 =	rddreg [dreg:$0x0];
	s2 =	stileid.u32  }
0x209: {  	s1 =	rddreg [dreg:$0x1];
	p0 =	sne.s32 s2, $0x0  }
0x20a: {  	s3 =	rddreg [dreg:$0x2];
	[bflag:$0x3] =	sbarrier.arrive $0xFFFF;
	s2 =	simm.s32 @!p0 $0x1C03  }
0x20b: {  	[timem:s3], [sflag:s2] =	dma.local @!p0 [hbm:s0], s1  }
0x20c: {  	s0 =	simm.s32 @!p0 $0x3  }
0x20d: {  	_ =	swait.ge @!p0 [sflag:s0], s1  }
0x20e: {  	s1 =	ssub.s32 @!p0 $0x0, s1;
	[sflag:s0] =	ssyncset.done @!p0 $0x0  }
0x20f: {  	[sflag:s0] =	ssyncadd.s32 @!p0 s1  }
0x210: {  	[bflag:$0x3] =	sbarrier.arrive $0xFFFF  }
0x211: {  	_ =	shalt  }

// kernel: sparse-core-data-format-call.cloned.1.call-start
scs
called_computation_lowered:
.L_overlay_start_0:
0x0: {  	s2 =	sld [smem:$0x3FD9]  }
0x1: {  	s3 =	sld [smem:$0x3FFE];
	_ =	sdelay $0x1  }
0x2: {  	s1 =	srdreg.scid  }
0x3: {  	s0 =	sand.u32 $0x1, s1  }
0x4: {  	s18 =	sshll.u32 s0, $0xA;
	s2 =	sadd.s32 s3, s2  }
0x5: {  	s2 =	sadd.s32 s2, s18  }
0x6: {  	[smem:$0x3FC6] =	sst s2  }
0x7: {  	_ = 	snop  }
0x8: {  	s2 =	sld [smem:$0x3FD0];
	(tm) =	ssettm $0x1  }
0x9: {  	s19 =	sld [smem:$0x3FFB];
	_ =	sdelay $0x3  }
0xa: {  	_ =	strace s19  }
0xb: {  	s3 =	sld [smem:$0x3FFC];
	_ =	sdelay $0x3  }
0xc: {  	_ =	strace s3  }
0xd: {  	s3 =	sld [smem:$0x3FFD];
	_ =	sdelay $0x3  }
0xe: {  	_ =	strace s3  }
0xf: {  	_ =	strace $0x8FFFFFFF  }
0x10: {  	s20 =	sld [smem:$0x3FDB];
	_ =	sdelay $0x1  }
0x11: {  	s4 =	simm.s32 $_scs_section_size  }
0x12: {  	s5 =	simm.s32 $_size__tile_overlayer_lowered;
	s6 =	simm.s32 $_tile_overlayer_lowered  }
0x13: {  	s23 =	simm.s32 $0x1BFF;
	s22 =	sshll.u32 s6, $0x1;
	s3 =	sadd.s32 s4, s20  }
0x14: {  	s7 =	simm.s32 $0x0;
	s21 =	sshll.u32 s5, $0x1;
	s5 =	sadd.s32 s22, s3  }
0x15: {  	[timem:s7], [sflag:s23] =	dma.local [hbm:s5], s21  }
0x16: {  	_ =	swait.ge [sflag:s23], s21  }
0x17: {  	s4 =	ssub.s32 $0x0, s21;
	[sflag:s23] =	ssyncset.done $0x0  }
0x18: {  	[sflag:s23] =	ssyncadd.s32 s4;
	_ =	sdelay $0x1  }
0x19: {  	s24 =	simm.s32 $0x1B8B  }
0x1a: {  	_ =	swait.ge [sflag:s24], $0x1  }
0x1b: {  	[sflag:s24] =	ssyncset.done $0x0  }
0x1c: {  	s26 =	simm.s32 $0x1B8E;
	s25 =	sld [smem:$0x3FFE];
	[sflag:s24] =	ssyncadd.s32 $0xFFFFFFFF  }
0x1d: {  	s27 =	simm.s32 $execute0_lowered;
	[smem:$0x3FD2] =	sst s26  }
0x1e: {  	s5 =	sshll.u32 s27, $0x1;
	_ =	strace $0x80000049;
	[dreg:$0x1] =	wrdreg $0xFFFFFFFF  }
0x1f: {  	s28 =	simm.s32 $_size_execute0_lowered;
	s3 =	sadd.s32 s3, s5;
	[dreg:$0x0] =	wrdreg $0x0  }
0x20: {  	s5 =	sshll.u32 s28, $0x1;
	[dreg:$0x2] =	wrdreg s3  }
0x21: {  	[dreg:$0x3] =	wrdreg s5  }
0x22: {  	[dreg:$0x4] =	wrdreg $0xC0  }
0x23: {  	_ =	task [dreg:s7], $0x5FFFF  }
0x24: {  	[dreg:$0x1] =	wrdreg $0xFFFFFFFF  }
0x25: {  	[dreg:$0x0] =	wrdreg $0x60  }
0x26: {  	[dreg:$0x2] =	wrdreg s25  }
0x27: {  	[dreg:$0x3] =	wrdreg s2  }
0x28: {  	[dreg:$0x4] =	wrdreg $0x9  }
0x29: {  	_ =	task.clear_ibuf [dreg:s7], $0x5FFFF;
	_ =	strace $0x90000049  }
0x2a: {  	s29 =	simm.s32 $0x9;
	_ =	strace $0x8000004B  }
0x2b: {  	_ =	swait.ge [sflag:s29], $0x1  }
0x2c: {  	[sflag:s29] =	ssyncadd.s32 $0xFFFFFFFF  }
0x2d: {  	_ =	strace $0x9000004B  }
0x2e: {  	_ =	sfence  }
0x2f: {  	s30 =	sld [smem:$0x0];
	_ =	sdelay $0x2  }
0x30: {  	s31 =	sshll.u32 s1, $0xD;
	s1 =	sshrl.u32 s1, $0x2  }
0x31: {  	s3 =	sand.u32 $0x4000, s31;
	s1 =	sadd.s32 s1, s30  }
0x32: {  	s0 =	sor.u32 s3, s0;
	s1 =	sshll.u32 s1, $0x11  }
0x33: {  	s0 =	sor.u32 s1, s0  }
0x34: {  	s0 =	sadd.s32 $0x8F2B, s0  }
0x35: {  	[sflag:s0] =	ssyncadd.remote.s32 $0x1  }
0x36: {  	_ =	sfence.sel $0xFFFF  }
0x37: {  	[dreg:$0x0] =	wrdreg $0xFFFFFFFF;
	(pc) =	sbr.abs _section_cstart, $3  }
0x38: {  	[dreg:$0x1] =	wrdreg $0xFFFFFFFF  }
0x39: {  	_ =	task.clear_ibuf [dreg:s7], $0x2FFFF;
	_ =	strace $0x9FFFFFFF  }
0x3a: {  	(tm) =	ssettm $0x7FFFFFFF  }
0x3b: {  	_ =	shalt  }
tec
execute0_lowered:
.L_overlay_start_1:
0x0: {  	(tag) =	ssettag $0x1  }
0x1: {  	s0 =	srdreg.scid  }
0x2: {  	s1 =	sshll.u32 s0, $0x4  }
0x3: {  	s0 =	stileid.u32;
	s1 =	sand.u32 $0x10, s1  }
0x4: {  	s1 =	sor.u32 s0, s1  }
0x5: {  	s6 =	rddreg [dreg:$0x0];
	s4 =	simm.s32 $0x1;
	s2 =	sshll.u32 s1, $0x7  }
0x6: {  	s7 =	simm.s32 $0x2;
	s12 =	simm.s32 $0x0;
	s1 =	ssub.s32 $0x4000, s2  }
0x7: {  	s8 =	simm.s32 $0x20000;
	s13 =	simm.s32 $0x0;
	s3 =	sand.u32 $0xF80, s1  }
0x8: {  	s9 =	simm.s32 $0x0;
	s5 =	sshrl.u32 s1, $0xC;
	p0 =	sne.s32 s3, $0x0  }
.Ltmp0:
0x9: {  	s1 =	rddreg [dreg:$0x2];
	s4 =	simm.s32 @!p0 $0x0;
	(pc) =	sbr.rel .LBB1_1-.Ltmp0, $4  }
0xa: {  	s11 =	simm.s32 $0x0;
	s3 =	rddreg [dreg:$0x1];
	s5 =	sadd.s32 s4, s5  }
0xb: {  	_ =	strace $0x8000004A;
	s4 =	simm.s32 $0x1;
	s5 =	smul.u32 $0x32, s5  }
0xc: {  	s6 =	sadd.s32 $0xA00, s6;
	s10 =	smov.u32 s2;
	[sflag:s4] =	ssyncpa.u1 $0x0  }
0xd: {  	p0 =	por $0x0, $0x0;
	[sflag:s7] =	ssyncpa.u1 $0x0;
	s7 =	sor.u32 $0x1, s5  }
.LBB1_4:
0xe: {  	s16 =	sshll.u32 s13, $0x3;
	s17 =	sand.u32 $0x78, s13  }
0xf: {  	s30 =	sand.u32 $0xF800, s13;
	s12 =	sshll.u32 s12, $0x10;
	s16 =	sand.u32 $0x3C00, s16  }
0x10: {  	s31 =	sand.u32 $0x7, s13;
	s16 =	sor.u32 s17, s16;
	s17 =	sadd.s32 s3, s30  }
0x11: {  	s13 =	sshll.u32 s31, $0x12;
	s16 =	sshrl.u32 s16, $0x3;
	s12 =	sadd.s32 s12, s17  }
0x12: {  	[tilespmem:s15+$0x0 ss:$0x81] =	vst.msk $0xffff, v0;
	s13 =	sor.u32 $0x400, s13;
	s12 =	sadd.s32 s16, s12  }
0x13: {  	[hbm4b:s12+s13] =	stream.strided.scatter [tilespmem:s14], [sflag:$0x2], $0x1000, s8, s13, $0x20;
	[tilespmem:$0x4040] =	vst v63  }
.LBB1_5:
0x14: {  	s14 =	sadd.s32 $0x1, s9  }
0x15: {  	s12 =	sadd.s32 $0x1000, s10;
	s16 =	smov.u32 s10;
	p2 =	sgt.s32 s14, $0x31  }
0x16: {  	s16 =	smov.u32 @p2 s12  }
0x17: {  	s14 =	simm.s32 @p2 $0x0;
	p2 =	sgt.s32 s16, $0x3FFF  }
0x18: {  	s16 =	smov.u32 @p2 s2;
	p2 =	sne.s32 s11, s7  }
.Ltmp1:
0x19: {  	p1 =	slt.u32 s11, $0x2;
	(pc) =	sbr.rel @!p2 .LBB1_6-.Ltmp1, $4  }
0x1a: {  	s15 =	simm.s32 @!p1 $0x2  }
0x1b: {  	s13 =	smov.u32 s10;
	p0 =	por !p0, !p0;
	_ =	swait.ge @!p1 [sflag:s15], $0x1000  }
0x1c: {  	s12 =	smov.u32 s9;
	[sflag:s15] =	ssyncset.done @!p1 $0x0;
	s9 =	smov.u32 s14  }
0x1d: {  	s11 =	sadd.s32 $0x1, s11;
	[sflag:s15] =	ssyncadd.s32 @!p1 $0xFFFFF000;
	s10 =	smov.u32 s16  }
.LBB1_1:
0x1e: {  	p1 =	sge.u32 s11, s5  }
0x1f: {  	s14 =	sand.u32 @!p1 $0x1FFFFFF, s9  }
0x20: {  	s15 =	smulhi.u32 @!p1 $0x4924925, s14;
	_ =	sdelay $0x1  }
0x21: {  	s15 =	smul.u32 @!p1 $0x38, s15  }
0x22: {  	s16 =	sxor.u32 @!p1 $0xFFFFFFFF, s11;
	s17 =	smul.u32 @!p1 $0x380, s10  }
0x23: {  	s31 =	sadd.s32 $0xFFFFFFFF, s11;
	s16 =	sshll.u32 @!p1 s16, $0xC;
	s14 =	ssub.s32 @!p1 s14, s15  }
0x24: {  	s15 =	sand.u32 @!p1 $0x1000, s16;
	s16 =	sadd.s32 @!p1 s6, s17;
	s14 =	sshll.u32 @!p1 s14, $0x4  }
0x25: {  	s17 =	simm.s32 @!p1 $0x1C00;
	s14 =	sadd.s32 @!p1 s14, s16;
	s16 =	simm.s32 @!p1 $0x20  }
0x26: {  	[tilespmem:s15], [sflag:$0x1] =	stream.strided.gather @!p1 [hbm4b:s14+s16], $0x1000, s17, s16, $0x38;
	[tilespmem:$0x4040] =	vst v63  }
0x27: {  	p1 =	sge.u32 s31, s5  }
.Ltmp2:
0x28: {  	_ = 	snop;
	(pc) =	sbr.rel @p1 .LBB1_5-.Ltmp2, $1  }
0x29: {  	_ =	sdelay $0x3  }
0x2a: {  	s14 =	simm.s32 $0x1  }
0x2b: {  	_ =	swait.ge [sflag:s4], $0x1000;
	s14 =	simm.s32 @!p0 $0x0  }
0x2c: {  	[sflag:s4] =	ssyncset.done $0x0;
	s15 =	sshll.u32 s14, $0xC  }
0x2d: {  	[sflag:s4] =	ssyncadd.s32 $0xFFFFF000;
	s18 =	sor.u32 $0x10, s15  }
0x2e: {  	s14 =	smul.u32 $0x4080, s14;
	v1 =	vld [tilespmem:s18+$0x0]  }
0x2f: {  	s30 =	sand.u32 $0x1, s11;
	v0 =	vld [tilespmem:s18+$0xFFFFFFF0]  }
0x30: {  	s15 =	smul.u32 $0x4080, s30;
	s14 =	sshrl.u32 s14, $0x2  }
0x31: {  	s16 =	sor.u32 $0x2000, s14  }
0x32: {  	s31 =	sshrl.u32 s15, $0x2;
	s15 =	sadd.s32 $0x0, s16  }
0x33: {  	s17 =	simm.s32 $0x4;
	s18 =	sadd.s32 $0x20, s18;
	s14 =	sor.u32 $0x2000, s31;
	[tilespmem:s15+$0x810 ss:$0x81] =	vst.msk $0xffff, v1  }
.LBB1_3:
0x34: {  	v1 =	vld [tilespmem:s18+$0x0];
	p1 =	sne.s32 s17, $0x1FC;
	[tilespmem:s15+$0x0 ss:$0x81] =	vst.msk $0xffff, v0;
	s15 =	smov.u32 s17;
	s17 =	sadd.s32 $0x4, s17  }
.Ltmp3:
0x35: {  	v0 =	vld [tilespmem:s18+$0xFFFFFFF0];
	(pc) =	sbr.rel @p1 .LBB1_3-.Ltmp3, $4  }
0x36: {  	_ = 	snop  }
0x37: {  	s15 =	sshra.s32 s15, $0x2  }
0x38: {  	s15 =	sadd.s32 s15, s16  }
0x39: {  	s18 =	sadd.s32 $0x20, s18;
	[tilespmem:s15+$0x810 ss:$0x81] =	vst.msk $0xffff, v1  }
.Ltmp4:
0x3a: {  	_ = 	snop;
	(pc) =	sbr.rel .LBB1_4-.Ltmp4, $1  }
0x3b: {  	_ =	sdelay $0x3  }
.LBB1_6:
0x3c: {  	_ =	sfence.sel $0x180000  }
0x3d: {  	s2 =	simm.s32 $0x1;
	[bflag:$0x0] =	sbarrier.arrive $0xFFFF  }
0x3e: {  	s31 =	simm.s32 $0x2;
	[sflag:s2] =	ssyncpa.u1 $0x1  }
0x3f: {  	[sflag:s31] =	ssyncpa.u1 $0x1  }
0x40: {  	p0 =	sne.s32 s0, $0x0;
	_ =	strace $0x9000004A  }
0x41: {  	s0 =	sadd.s32 @!p0 $0x100000, s1;
	[bflag:$0x2] =	sbarrier.arrive $0xFFFF  }
0x42: {  	[sflag:s0] =	ssyncadd.tile.s32 @!p0 $0x1;
	_ =	shalt  }
.Lfunc_end1:
_tile_overlayer_lowered:
.L_overlay_start_2:
0x43: {  	(tag) =	ssettag $0x2  }
0x44: {  	s0 =	rddreg [dreg:$0x0];
	s2 =	stileid.u32  }
0x45: {  	s1 =	rddreg [dreg:$0x1];
	p0 =	sne.s32 s2, $0x0  }
0x46: {  	s3 =	rddreg [dreg:$0x2];
	[bflag:$0x3] =	sbarrier.arrive $0xFFFF;
	s2 =	simm.s32 @!p0 $0x1C01  }
0x47: {  	[timem:s3], [sflag:s2] =	dma.local @!p0 [hbm:s0], s1  }
0x48: {  	s0 =	simm.s32 @!p0 $0x1  }
0x49: {  	_ =	swait.ge @!p0 [sflag:s0], s1  }
0x4a: {  	s1 =	ssub.s32 @!p0 $0x0, s1;
	[sflag:s0] =	ssyncset.done @!p0 $0x0  }
0x4b: {  	[sflag:s0] =	ssyncadd.s32 @!p0 s1  }
0x4c: {  	[bflag:$0x3] =	sbarrier.arrive $0xFFFF  }
0x4d: {  	_ =	shalt  }

</sc_bundles>
